<compile_context>
chip_gen: v7x
topology: tpu7x:2x2x1
jax: 0.10.2.dev20260603
libtpu: 0.0.44.dev20260713+nightly
codegen_flags: <defaults>
</compile_context>

<pallas_src>
import jax
import jax.numpy as jnp
from jax import lax
from jax.experimental import pallas as pl
from jax.experimental.pallas import tpu as pltpu
from jax.experimental.pallas import tpu_sc as plsc

N = 10000
NPAD = 10240
E = 320000
FW = 128
CHUNK = 128
NC, NS = 2, 16
NW = NC * NS
K = 2 * (((E + NW * CHUNK - 1) // (NW * CHUNK) + 1) // 2)
EPW = K * CHUNK
EPAD = EPW * NW
PADIDX = N
RPT = NPAD // NS



_MESH = plsc.VectorSubcoreMesh(core_axis_name="c", subcore_axis_name="s")


def _deg_body(dst_hbm, out_hbm, deg_s, idx, ones, zbuf, sem):
    c = lax.axis_index("c")
    s = lax.axis_index("s")
    wid = c * NS + s
    for i in range(RPT // 16):
        zbuf[pl.ds(i * 16, 16)] = jnp.zeros((16,), jnp.float32)
    for i in range(CHUNK // 16):
        ones[pl.ds(i * 16, 16)] = jnp.ones((16,), jnp.float32)
    pltpu.sync_copy(zbuf, deg_s.at[pl.ds(s * RPT, RPT)])
    plsc.subcore_barrier()

    def body(j, carry):
        pltpu.sync_copy(dst_hbm.at[wid].at[j], idx)
        pltpu.sync_copy(ones, deg_s.at[idx], add=True)
        return carry

    lax.fori_loop(0, K, body, 0)
    plsc.subcore_barrier()
    pltpu.sync_copy(deg_s.at[pl.ds(s * RPT, RPT)],
                    out_hbm.at[c].at[pl.ds(s * RPT, RPT)])


def _run_deg(dst):
    kern = pl.kernel(
        _deg_body,
        out_type=jax.ShapeDtypeStruct((NC, NPAD), jnp.float32),
        mesh=_MESH,
        scratch_types=[
            pltpu.VMEM_SHARED((NPAD,), jnp.float32),
            pltpu.VMEM((CHUNK,), jnp.int32),
            pltpu.VMEM((CHUNK,), jnp.float32),
            pltpu.VMEM((RPT,), jnp.float32),
            pltpu.SemaphoreType.DMA,
        ],
    )
    return kern(dst)


def _agg_body(src_hbm, dst_hbm, feat_hbm, out_hbm, acc,
              idxs, idxd0, idxd1, rows0, rows1, sem0, sem1, semd0, semd1):
    c = lax.axis_index("c")
    s = lax.axis_index("s")
    wid = c * NS + s
    pltpu.sync_copy(src_hbm.at[wid], idxs)
    pltpu.sync_copy(feat_hbm.at[pl.ds(s * RPT, RPT)], acc.at[pl.ds(s * RPT, RPT)])
    plsc.subcore_barrier()

    def g_start(j, rows, sem):
        pltpu.make_async_copy(feat_hbm.at[idxs.at[j]], rows, sem).start()

    def g_wait(rows, sem):
        pltpu.make_async_copy(feat_hbm.at[pl.ds(0, CHUNK)], rows, sem).wait()

    def d_start(j, buf, sem):
        pltpu.make_async_copy(dst_hbm.at[wid].at[j], buf, sem).start()

    def d_wait(buf, sem):
        pltpu.make_async_copy(dst_hbm.at[0].at[0], buf, sem).wait()

    g_start(0, rows0, sem0)
    d_start(0, idxd0, semd0)
    d_start(1, idxd1, semd1)

    def body(t, carry):
        j0 = 2 * t
        g_start(j0 + 1, rows1, sem1)
        g_wait(rows0, sem0)
        d_wait(idxd0, semd0)
        pltpu.sync_copy(rows0, acc.at[idxd0], add=True)

        @pl.when(j0 + 2 < K)
        def _():
            g_start(j0 + 2, rows0, sem0)
            d_start(j0 + 2, idxd0, semd0)

        g_wait(rows1, sem1)
        d_wait(idxd1, semd1)
        pltpu.sync_copy(rows1, acc.at[idxd1], add=True)

        @pl.when(j0 + 3 < K)
        def _():
            d_start(j0 + 3, idxd1, semd1)
        return carry

    lax.fori_loop(0, K // 2, body, 0)
    plsc.subcore_barrier()
    pltpu.sync_copy(acc.at[pl.ds(s * RPT, RPT)],
                    out_hbm.at[c].at[pl.ds(s * RPT, RPT)])


def _run_agg(src, dst, feat):
    kern = pl.kernel(
        _agg_body,
        out_type=jax.ShapeDtypeStruct((NC, NPAD, FW), jnp.float32),
        mesh=_MESH,
        scratch_types=[
            pltpu.VMEM_SHARED((NPAD, FW), jnp.float32),
            pltpu.VMEM((K, CHUNK), jnp.int32),
            pltpu.VMEM((CHUNK,), jnp.int32),
            pltpu.VMEM((CHUNK,), jnp.int32),
            pltpu.VMEM((CHUNK, FW), jnp.float32),
            pltpu.VMEM((CHUNK, FW), jnp.float32),
            pltpu.SemaphoreType.DMA,
            pltpu.SemaphoreType.DMA,
            pltpu.SemaphoreType.DMA,
            pltpu.SemaphoreType.DMA,
        ],
    )
    return kern(src, dst, feat)




def _h_body(x_ref, w1_ref, degt_ref, hs_ref, dinv_ref):
    d = degt_ref[:, 0:1] + degt_ref[:, 1:2] + 1.0
    dinv = lax.rsqrt(d)
    dinv_ref[...] = dinv
    h = jnp.dot(x_ref[...], w1_ref[...], preferred_element_type=jnp.float32)
    hs_ref[...] = h * dinv


def _run_h(xp, w1p, degt):
    return pl.pallas_call(
        _h_body,
        out_shape=(
            jax.ShapeDtypeStruct((NPAD, FW), jnp.float32),
            jax.ShapeDtypeStruct((NPAD, 1), jnp.float32),
        ),
    )(xp, w1p, degt)


def _mid_body(aggp_ref, hs_ref, dinv_ref, b1_ref, gs_ref):
    ssum = aggp_ref[0] + aggp_ref[1] - hs_ref[...]
    dinv = dinv_ref[...]
    pre = ssum * dinv + b1_ref[...]
    gs_ref[...] = jax.nn.sigmoid(pre) * dinv


def _run_mid(aggp, hs, dinv, b1p):
    return pl.pallas_call(
        _mid_body,
        out_shape=jax.ShapeDtypeStruct((NPAD, FW), jnp.float32),
    )(aggp, hs, dinv, b1p)


def _out_body(aggp_ref, gs_ref, dinv_ref, w2p_ref, b2_ref, z_ref):
    ssum = aggp_ref[0] + aggp_ref[1] - gs_ref[...]
    zin = ssum * dinv_ref[...]
    z = jnp.dot(zin, w2p_ref[...], preferred_element_type=jnp.float32)
    z_ref[...] = z[0:N, :] + b2_ref[...]


def _run_out(aggp, gs, dinv, w2p, b2):
    return pl.pallas_call(
        _out_body,
        out_shape=jax.ShapeDtypeStruct((N, 8), jnp.float32),
    )(aggp, gs, dinv, w2p, b2)




def kernel(x, edge_index, W1, b1, W2, b2):
    ei = edge_index.astype(jnp.int32)
    pad = jnp.full((EPAD - E,), PADIDX, dtype=jnp.int32)
    src = jnp.concatenate([ei[0], pad]).reshape(NW, K, CHUNK)
    dst = jnp.concatenate([ei[1], pad]).reshape(NW, K, CHUNK)
    xp = jnp.pad(x, ((0, NPAD - N), (0, 0)))
    w1p = jnp.pad(W1, ((0, 0), (0, FW - W1.shape[1])))
    w2p = jnp.pad(W2, ((0, FW - W2.shape[0]), (0, 0)))
    b1p = jnp.pad(b1, (0, FW - b1.shape[0])).reshape(1, FW)
    b2r = b2.reshape(1, -1)

    degp = _run_deg(dst)
    hs, dinv = _run_h(xp, w1p, degp.T)
    aggp = _run_agg(src, dst, hs)
    gs = _run_mid(aggp, hs, dinv, b1p)
    agg2p = _run_agg(src, dst, gs)
    return _run_out(agg2p, gs, dinv, w2p, b2r)

# --- scband reference (transcript-rebuilt; emitter-appended) ---
"""Pipeline reference for scband-net-22565758173932 (READ-ONLY COPY).

The authoritative reference and input builder live on the scoring server;
editing this copy changes nothing except your own understanding.
"""

import jax, jax.numpy as jnp
import numpy as np

N_NODES = 10000
N_EDGES = 320000
D_IN = 128
D_HID = 64
D_OUT = 8

def setup_inputs(seed: int = 0) -> dict:
    key = jax.random.key(seed)
    k1, k2, k3, k4 = jax.random.split(key, 4)
    x = jax.random.normal(k1, (N_NODES, D_IN), dtype=jnp.float32)
    edge_index = jax.random.randint(k2, (2, N_EDGES), 0, N_NODES, dtype=jnp.int64)
    W1 = jax.random.normal(k3, (D_IN, D_HID), dtype=jnp.float32) * (1.0 / np.sqrt(D_IN))
    b1 = jnp.zeros((D_HID,), dtype=jnp.float32)
    W2 = jax.random.normal(k4, (D_HID, D_OUT), dtype=jnp.float32) * (1.0 / np.sqrt(D_HID))
    b2 = jnp.zeros((D_OUT,), dtype=jnp.float32)
    return {"x": x, "edge_index": edge_index, "W1": W1, "b1": b1, "W2": W2, "b2": b2}

def _gcn_conv(x, src, dst, W, b, num_nodes):
    # GCNConv with self-loops and symmetric normalization: D^-1/2 (A+I) D^-1/2 X W + b
    h = x @ W
    deg = jnp.zeros((num_nodes,), dtype=h.dtype).at[dst].add(1.0)
    deg_inv_sqrt = jnp.where(deg > 0, 1.0 / jnp.sqrt(deg), 0.0)
    norm = deg_inv_sqrt[src] * deg_inv_sqrt[dst]
    msg = h[src] * norm[:, None]
    out = jnp.zeros((num_nodes, h.shape[1]), dtype=h.dtype).at[dst].add(msg)
    return out + b

def reference(x, edge_index, W1, b1, W2, b2):
    num_nodes = x.shape[0]
    loops = jnp.arange(num_nodes, dtype=edge_index.dtype)
    src = jnp.concatenate([edge_index[0], loops])
    dst = jnp.concatenate([edge_index[1], loops])
    h = _gcn_conv(x, src, dst, W1, b1, num_nodes)
    h = jax.nn.sigmoid(h)
    z = _gcn_conv(h, src, dst, W2, b2, num_nodes)
    return z

if __name__ == "__main__":
    import jax
    _d = setup_inputs()
    print(jax.jit(kernel)(*tuple(_d.values())))

</pallas_src>

<mosaic_0001>
#map = affine_map<(d0, d1) -> (0, 0, 0)>
#map1 = affine_map<(d0, d1) -> (0, 0)>
module attributes {stable_mosaic.version = 14 : i64} {
  func.func @_agg_body(%arg0: i32, %arg1: i32, %arg2: memref<32x80x128xi32, #tpu.memory_space<hbm>>, %arg3: memref<32x80x128xi32, #tpu.memory_space<hbm>>, %arg4: memref<10240x128xf32, #tpu.memory_space<hbm>>, %arg5: memref<2x10240x128xf32, #tpu.memory_space<hbm>>, %arg6: memref<10240x128xf32, #tpu.memory_space<vmem_shared>>, %arg7: memref<80x128xi32, #tpu.memory_space<vmem>>, %arg8: memref<128xi32, #tpu.memory_space<vmem>>, %arg9: memref<128xi32, #tpu.memory_space<vmem>>, %arg10: memref<128x128xf32, #tpu.memory_space<vmem>>, %arg11: memref<128x128xf32, #tpu.memory_space<vmem>>, %arg12: memref<!tpu.dma_semaphore, #tpu.memory_space<semaphore_mem>>, %arg13: memref<!tpu.dma_semaphore, #tpu.memory_space<semaphore_mem>>, %arg14: memref<!tpu.dma_semaphore, #tpu.memory_space<semaphore_mem>>, %arg15: memref<!tpu.dma_semaphore, #tpu.memory_space<semaphore_mem>>) attributes {dimension_semantics = [#tpu.dimension_semantics<core_parallel>, #tpu.dimension_semantics<subcore_parallel>], iteration_bounds = array<i64: 2, 16>, scalar_prefetch = 0 : i64, scratch_operands = 10 : i64, tpu.core_type = #tpu.core_type<sc_vector_subcore>, window_params = [{transform_indices = #map}, {transform_indices = #map}, {transform_indices = #map1}, {transform_indices = #map}]} {
    %mul3A = arith.constant 16 : i32
    %mul3A_0 = arith.muli %arg0, %mul3A : i32
    %add3A = arith.addi %mul3A_0, %arg1 : i32
    "tpu.region"() ({
      %run_scoped3A = tpu.sem_alloc : memref<!tpu.dma_semaphore, #tpu.memory_space<semaphore_mem>>
      %dma_start3A_51 = arith.constant 0 : i32
      %dma_start3A_52 = arith.constant 0 : i32
      %dma_start3A_53 = tpu.memref_slice %arg2[%add3A, %dma_start3A_51, %dma_start3A_52] : memref<32x80x128xi32, #tpu.memory_space<hbm>> -> memref<1x80x128xi32, #tpu.memory_space<hbm>>
      %dma_start3A_54 = tpu.memref_squeeze %dma_start3A_53 : memref<1x80x128xi32, #tpu.memory_space<hbm>> -> memref<80x128xi32, #tpu.memory_space<hbm>>
      %dma_start3A_55 = arith.constant 0 : i32
      %dma_start3A_56 = arith.constant 0 : i32
      %dma_start3A_57 = tpu.memref_slice %arg2[%add3A, %dma_start3A_55, %dma_start3A_56] : memref<32x80x128xi32, #tpu.memory_space<hbm>> -> memref<1x80x128xi32, #tpu.memory_space<hbm>>
      %dma_start3A_58 = tpu.memref_squeeze %dma_start3A_57 : memref<1x80x128xi32, #tpu.memory_space<hbm>> -> memref<80x128xi32, #tpu.memory_space<hbm>>
      tpu.enqueue_dma source(%dma_start3A_58 : memref<80x128xi32, #tpu.memory_space<hbm>>) target(%arg7 : memref<80x128xi32, #tpu.memory_space<vmem>>) target_semaphore(%run_scoped3A : memref<!tpu.dma_semaphore, #tpu.memory_space<semaphore_mem>>)
      %dma_wait3A = arith.constant 0 : i32
      %dma_wait3A_59 = arith.constant 0 : i32
      %dma_wait3A_60 = tpu.memref_slice %arg2[%add3A, %dma_wait3A, %dma_wait3A_59] : memref<32x80x128xi32, #tpu.memory_space<hbm>> -> memref<1x80x128xi32, #tpu.memory_space<hbm>>
      %dma_wait3A_61 = tpu.memref_squeeze %dma_wait3A_60 : memref<1x80x128xi32, #tpu.memory_space<hbm>> -> memref<80x128xi32, #tpu.memory_space<hbm>>
      %dma_wait3A_62 = arith.constant 0 : i32
      %dma_wait3A_63 = arith.constant 0 : i32
      %dma_wait3A_64 = tpu.memref_slice %arg2[%add3A, %dma_wait3A_62, %dma_wait3A_63] : memref<32x80x128xi32, #tpu.memory_space<hbm>> -> memref<1x80x128xi32, #tpu.memory_space<hbm>>
      %dma_wait3A_65 = tpu.memref_squeeze %dma_wait3A_64 : memref<1x80x128xi32, #tpu.memory_space<hbm>> -> memref<80x128xi32, #tpu.memory_space<hbm>>
      tpu.wait_dma2 semaphore(%run_scoped3A : memref<!tpu.dma_semaphore, #tpu.memory_space<semaphore_mem>>) src(%dma_wait3A_65 : memref<80x128xi32, #tpu.memory_space<hbm>>) dst(%arg7 : memref<80x128xi32, #tpu.memory_space<vmem>>)
      tpu.yield
    }) : () -> ()
    %mul3A_1 = arith.constant 640 : i32
    %mul3A_2 = arith.muli %arg1, %mul3A_1 : i32
    %mul3A_3 = arith.constant 640 : i32
    %mul3A_4 = arith.muli %arg1, %mul3A_3 : i32
    "tpu.region"() ({
      %run_scoped3A = tpu.sem_alloc : memref<!tpu.dma_semaphore, #tpu.memory_space<semaphore_mem>>
      %dma_start3A_51 = arith.constant 0 : i32
      %dma_start3A_52 = tpu.memref_slice %arg6[%mul3A_4, %dma_start3A_51] : memref<10240x128xf32, #tpu.memory_space<vmem_shared>> -> memref<640x128xf32, #tpu.memory_space<vmem_shared>>
      %dma_start3A_53 = arith.constant 0 : i32
      %dma_start3A_54 = tpu.memref_slice %arg4[%mul3A_2, %dma_start3A_53] : memref<10240x128xf32, #tpu.memory_space<hbm>> -> memref<640x128xf32, #tpu.memory_space<hbm>>
      tpu.enqueue_dma source(%dma_start3A_54 : memref<640x128xf32, #tpu.memory_space<hbm>>) target(%dma_start3A_52 : memref<640x128xf32, #tpu.memory_space<vmem_shared>>) target_semaphore(%run_scoped3A : memref<!tpu.dma_semaphore, #tpu.memory_space<semaphore_mem>>)
      %dma_wait3A = arith.constant 0 : i32
      %dma_wait3A_55 = tpu.memref_slice %arg6[%mul3A_4, %dma_wait3A] : memref<10240x128xf32, #tpu.memory_space<vmem_shared>> -> memref<640x128xf32, #tpu.memory_space<vmem_shared>>
      %dma_wait3A_56 = arith.constant 0 : i32
      %dma_wait3A_57 = tpu.memref_slice %arg4[%mul3A_2, %dma_wait3A_56] : memref<10240x128xf32, #tpu.memory_space<hbm>> -> memref<640x128xf32, #tpu.memory_space<hbm>>
      tpu.wait_dma2 semaphore(%run_scoped3A : memref<!tpu.dma_semaphore, #tpu.memory_space<semaphore_mem>>) src(%dma_wait3A_57 : memref<640x128xf32, #tpu.memory_space<hbm>>) dst(%dma_wait3A_55 : memref<640x128xf32, #tpu.memory_space<vmem_shared>>)
      tpu.yield
    }) : () -> ()
    %barrier3A = arith.constant 0 : index
    tpu.barrier barrier_id(%barrier3A)
    %dma_start3A = arith.constant 0 : i32
    %dma_start3A_5 = arith.constant 0 : i32
    %dma_start3A_6 = tpu.memref_slice %arg7[%dma_start3A, %dma_start3A_5] : memref<80x128xi32, #tpu.memory_space<vmem>> -> memref<1x128xi32, #tpu.memory_space<vmem>>
    %dma_start3A_7 = tpu.memref_squeeze %dma_start3A_6 : memref<1x128xi32, #tpu.memory_space<vmem>> -> memref<128xi32, #tpu.memory_space<vmem>>
    %dma_start3A_8 = arith.constant 0 : i32
    %dma_start3A_9 = arith.constant 0 : i32
    %dma_start3A_10 = tpu.memref_slice %arg4[%dma_start3A_8, %dma_start3A_9] : memref<10240x128xf32, #tpu.memory_space<hbm>> -> memref<10240x128xf32, #tpu.memory_space<hbm>>
    tpu.enqueue_indirect_dma source(%dma_start3A_10 : memref<10240x128xf32, #tpu.memory_space<hbm>>) target(%arg10 : memref<128x128xf32, #tpu.memory_space<vmem>>) offsets(%dma_start3A_7 : memref<128xi32, #tpu.memory_space<vmem>>) semaphore(%arg12 : memref<!tpu.dma_semaphore, #tpu.memory_space<semaphore_mem>>)
    %dma_start3A_11 = arith.constant 0 : i32
    %dma_start3A_12 = arith.constant 0 : i32
    %dma_start3A_13 = arith.constant 0 : i32
    %dma_start3A_14 = tpu.memref_slice %arg3[%add3A, %dma_start3A_12, %dma_start3A_13] : memref<32x80x128xi32, #tpu.memory_space<hbm>> -> memref<1x80x128xi32, #tpu.memory_space<hbm>>
    %dma_start3A_15 = tpu.memref_squeeze %dma_start3A_14 : memref<1x80x128xi32, #tpu.memory_space<hbm>> -> memref<80x128xi32, #tpu.memory_space<hbm>>
    %dma_start3A_16 = arith.constant 0 : i32
    %dma_start3A_17 = tpu.memref_slice %dma_start3A_15[%dma_start3A_11, %dma_start3A_16] : memref<80x128xi32, #tpu.memory_space<hbm>> -> memref<1x128xi32, #tpu.memory_space<hbm>>
    %dma_start3A_18 = tpu.memref_squeeze %dma_start3A_17 : memref<1x128xi32, #tpu.memory_space<hbm>> -> memref<128xi32, #tpu.memory_space<hbm>>
    %dma_start3A_19 = arith.constant 0 : i32
    %dma_start3A_20 = arith.constant 0 : i32
    %dma_start3A_21 = tpu.memref_slice %arg3[%add3A, %dma_start3A_19, %dma_start3A_20] : memref<32x80x128xi32, #tpu.memory_space<hbm>> -> memref<1x80x128xi32, #tpu.memory_space<hbm>>
    %dma_start3A_22 = tpu.memref_squeeze %dma_start3A_21 : memref<1x80x128xi32, #tpu.memory_space<hbm>> -> memref<80x128xi32, #tpu.memory_space<hbm>>
    %dma_start3A_23 = arith.constant 0 : i32
    %dma_start3A_24 = tpu.memref_slice %dma_start3A_22[%dma_start3A_11, %dma_start3A_23] : memref<80x128xi32, #tpu.memory_space<hbm>> -> memref<1x128xi32, #tpu.memory_space<hbm>>
    %dma_start3A_25 = tpu.memref_squeeze %dma_start3A_24 : memref<1x128xi32, #tpu.memory_space<hbm>> -> memref<128xi32, #tpu.memory_space<hbm>>
    tpu.enqueue_dma source(%dma_start3A_25 : memref<128xi32, #tpu.memory_space<hbm>>) target(%arg8 : memref<128xi32, #tpu.memory_space<vmem>>) target_semaphore(%arg14 : memref<!tpu.dma_semaphore, #tpu.memory_space<semaphore_mem>>)
    %dma_start3A_26 = arith.constant 1 : i32
    %dma_start3A_27 = arith.constant 0 : i32
    %dma_start3A_28 = arith.constant 0 : i32
    %dma_start3A_29 = tpu.memref_slice %arg3[%add3A, %dma_start3A_27, %dma_start3A_28] : memref<32x80x128xi32, #tpu.memory_space<hbm>> -> memref<1x80x128xi32, #tpu.memory_space<hbm>>
    %dma_start3A_30 = tpu.memref_squeeze %dma_start3A_29 : memref<1x80x128xi32, #tpu.memory_space<hbm>> -> memref<80x128xi32, #tpu.memory_space<hbm>>
    %dma_start3A_31 = arith.constant 0 : i32
    %dma_start3A_32 = tpu.memref_slice %dma_start3A_30[%dma_start3A_26, %dma_start3A_31] : memref<80x128xi32, #tpu.memory_space<hbm>> -> memref<1x128xi32, #tpu.memory_space<hbm>>
    %dma_start3A_33 = tpu.memref_squeeze %dma_start3A_32 : memref<1x128xi32, #tpu.memory_space<hbm>> -> memref<128xi32, #tpu.memory_space<hbm>>
    %dma_start3A_34 = arith.constant 0 : i32
    %dma_start3A_35 = arith.constant 0 : i32
    %dma_start3A_36 = tpu.memref_slice %arg3[%add3A, %dma_start3A_34, %dma_start3A_35] : memref<32x80x128xi32, #tpu.memory_space<hbm>> -> memref<1x80x128xi32, #tpu.memory_space<hbm>>
    %dma_start3A_37 = tpu.memref_squeeze %dma_start3A_36 : memref<1x80x128xi32, #tpu.memory_space<hbm>> -> memref<80x128xi32, #tpu.memory_space<hbm>>
    %dma_start3A_38 = arith.constant 0 : i32
    %dma_start3A_39 = tpu.memref_slice %dma_start3A_37[%dma_start3A_26, %dma_start3A_38] : memref<80x128xi32, #tpu.memory_space<hbm>> -> memref<1x128xi32, #tpu.memory_space<hbm>>
    %dma_start3A_40 = tpu.memref_squeeze %dma_start3A_39 : memref<1x128xi32, #tpu.memory_space<hbm>> -> memref<128xi32, #tpu.memory_space<hbm>>
    tpu.enqueue_dma source(%dma_start3A_40 : memref<128xi32, #tpu.memory_space<hbm>>) target(%arg9 : memref<128xi32, #tpu.memory_space<vmem>>) target_semaphore(%arg15 : memref<!tpu.dma_semaphore, #tpu.memory_space<semaphore_mem>>)
    %scan3A = arith.constant 0 : i32
    %scan3A_41 = arith.constant 0 : i32
    %scan3A_42 = arith.constant 40 : i32
    %scan3A_43 = arith.addi %scan3A_41, %scan3A_42 : i32
    %scan3A_44 = arith.constant 1 : i32
    scf.for %scan3A_51 = %scan3A_41 to %scan3A_43 step %scan3A_44  : i32 {
      %mul3A_52 = arith.constant 2 : i32
      %mul3A_53 = arith.muli %mul3A_52, %scan3A_51 : i32
      %add3A_54 = arith.constant 1 : i32
      %add3A_55 = arith.addi %mul3A_53, %add3A_54 : i32
      %dma_start3A_56 = arith.constant 0 : i32
      %dma_start3A_57 = tpu.memref_slice %arg7[%add3A_55, %dma_start3A_56] : memref<80x128xi32, #tpu.memory_space<vmem>> -> memref<1x128xi32, #tpu.memory_space<vmem>>
      %dma_start3A_58 = tpu.memref_squeeze %dma_start3A_57 : memref<1x128xi32, #tpu.memory_space<vmem>> -> memref<128xi32, #tpu.memory_space<vmem>>
      %dma_start3A_59 = arith.constant 0 : i32
      %dma_start3A_60 = arith.constant 0 : i32
      %dma_start3A_61 = tpu.memref_slice %arg4[%dma_start3A_59, %dma_start3A_60] : memref<10240x128xf32, #tpu.memory_space<hbm>> -> memref<10240x128xf32, #tpu.memory_space<hbm>>
      tpu.enqueue_indirect_dma source(%dma_start3A_61 : memref<10240x128xf32, #tpu.memory_space<hbm>>) target(%arg11 : memref<128x128xf32, #tpu.memory_space<vmem>>) offsets(%dma_start3A_58 : memref<128xi32, #tpu.memory_space<vmem>>) semaphore(%arg13 : memref<!tpu.dma_semaphore, #tpu.memory_space<semaphore_mem>>)
      %dma_wait3A = arith.constant 0 : i32
      %dma_wait3A_62 = arith.constant 0 : i32
      %dma_wait3A_63 = tpu.memref_slice %arg4[%dma_wait3A, %dma_wait3A_62] : memref<10240x128xf32, #tpu.memory_space<hbm>> -> memref<128x128xf32, #tpu.memory_space<hbm>>
      %dma_wait3A_64 = arith.constant 0 : i32
      %dma_wait3A_65 = arith.constant 0 : i32
      %dma_wait3A_66 = tpu.memref_slice %arg4[%dma_wait3A_64, %dma_wait3A_65] : memref<10240x128xf32, #tpu.memory_space<hbm>> -> memref<128x128xf32, #tpu.memory_space<hbm>>
      tpu.wait_dma2 semaphore(%arg12 : memref<!tpu.dma_semaphore, #tpu.memory_space<semaphore_mem>>) src(%dma_wait3A_66 : memref<128x128xf32, #tpu.memory_space<hbm>>) dst(%arg10 : memref<128x128xf32, #tpu.memory_space<vmem>>)
      %dma_wait3A_67 = arith.constant 0 : i32
      %dma_wait3A_68 = arith.constant 0 : i32
      %dma_wait3A_69 = arith.constant 0 : i32
      %dma_wait3A_70 = arith.constant 0 : i32
      %dma_wait3A_71 = tpu.memref_slice %arg3[%dma_wait3A_67, %dma_wait3A_69, %dma_wait3A_70] : memref<32x80x128xi32, #tpu.memory_space<hbm>> -> memref<1x80x128xi32, #tpu.memory_space<hbm>>
      %dma_wait3A_72 = tpu.memref_squeeze %dma_wait3A_71 : memref<1x80x128xi32, #tpu.memory_space<hbm>> -> memref<80x128xi32, #tpu.memory_space<hbm>>
      %dma_wait3A_73 = arith.constant 0 : i32
      %dma_wait3A_74 = tpu.memref_slice %dma_wait3A_72[%dma_wait3A_68, %dma_wait3A_73] : memref<80x128xi32, #tpu.memory_space<hbm>> -> memref<1x128xi32, #tpu.memory_space<hbm>>
      %dma_wait3A_75 = tpu.memref_squeeze %dma_wait3A_74 : memref<1x128xi32, #tpu.memory_space<hbm>> -> memref<128xi32, #tpu.memory_space<hbm>>
      %dma_wait3A_76 = arith.constant 0 : i32
      %dma_wait3A_77 = arith.constant 0 : i32
      %dma_wait3A_78 = tpu.memref_slice %arg3[%dma_wait3A_67, %dma_wait3A_76, %dma_wait3A_77] : memref<32x80x128xi32, #tpu.memory_space<hbm>> -> memref<1x80x128xi32, #tpu.memory_space<hbm>>
      %dma_wait3A_79 = tpu.memref_squeeze %dma_wait3A_78 : memref<1x80x128xi32, #tpu.memory_space<hbm>> -> memref<80x128xi32, #tpu.memory_space<hbm>>
      %dma_wait3A_80 = arith.constant 0 : i32
      %dma_wait3A_81 = tpu.memref_slice %dma_wait3A_79[%dma_wait3A_68, %dma_wait3A_80] : memref<80x128xi32, #tpu.memory_space<hbm>> -> memref<1x128xi32, #tpu.memory_space<hbm>>
      %dma_wait3A_82 = tpu.memref_squeeze %dma_wait3A_81 : memref<1x128xi32, #tpu.memory_space<hbm>> -> memref<128xi32, #tpu.memory_space<hbm>>
      tpu.wait_dma2 semaphore(%arg14 : memref<!tpu.dma_semaphore, #tpu.memory_space<semaphore_mem>>) src(%dma_wait3A_82 : memref<128xi32, #tpu.memory_space<hbm>>) dst(%arg8 : memref<128xi32, #tpu.memory_space<vmem>>)
      "tpu.region"() ({
        %run_scoped3A = tpu.sem_alloc : memref<!tpu.dma_semaphore, #tpu.memory_space<semaphore_mem>>
        %dma_start3A_116 = arith.constant 0 : i32
        %dma_start3A_117 = arith.constant 0 : i32
        %dma_start3A_118 = tpu.memref_slice %arg6[%dma_start3A_116, %dma_start3A_117] : memref<10240x128xf32, #tpu.memory_space<vmem_shared>> -> memref<10240x128xf32, #tpu.memory_space<vmem_shared>>
        tpu.enqueue_indirect_dma source(%arg10 : memref<128x128xf32, #tpu.memory_space<vmem>>) target(%dma_start3A_118 : memref<10240x128xf32, #tpu.memory_space<vmem_shared>>) offsets(%arg8 : memref<128xi32, #tpu.memory_space<vmem>>) semaphore(%run_scoped3A : memref<!tpu.dma_semaphore, #tpu.memory_space<semaphore_mem>>) {add = true}
        %dma_wait3A_119 = arith.constant 0 : i32
        %dma_wait3A_120 = arith.constant 0 : i32
        %dma_wait3A_121 = tpu.memref_slice %arg6[%dma_wait3A_119, %dma_wait3A_120] : memref<10240x128xf32, #tpu.memory_space<vmem_shared>> -> memref<10240x128xf32, #tpu.memory_space<vmem_shared>>
        tpu.wait_indirect_dma semaphore(%run_scoped3A : memref<!tpu.dma_semaphore, #tpu.memory_space<semaphore_mem>>) src(%arg10 : memref<128x128xf32, #tpu.memory_space<vmem>>) dst(%dma_wait3A_121 : memref<10240x128xf32, #tpu.memory_space<vmem_shared>>)
        tpu.yield
      }) : () -> ()
      %add3A_83 = arith.constant 2 : i32
      %add3A_84 = arith.addi %mul3A_53, %add3A_83 : i32
      %lt3A = arith.constant 80 : i32
      %lt3A_85 = arith.cmpi slt, %add3A_84, %lt3A : i32
      %convert_element_type3A = arith.extui %lt3A_85 : i1 to i32
      %cond3A = arith.constant 0 : i32
      %cond3A_86 = arith.cmpi ne, %convert_element_type3A, %cond3A : i32
      scf.if %cond3A_86 {
        %add3A_116 = arith.constant 2 : i32
        %add3A_117 = arith.addi %mul3A_53, %add3A_116 : i32
        %dma_start3A_118 = arith.constant 0 : i32
        %dma_start3A_119 = tpu.memref_slice %arg7[%add3A_117, %dma_start3A_118] : memref<80x128xi32, #tpu.memory_space<vmem>> -> memref<1x128xi32, #tpu.memory_space<vmem>>
        %dma_start3A_120 = tpu.memref_squeeze %dma_start3A_119 : memref<1x128xi32, #tpu.memory_space<vmem>> -> memref<128xi32, #tpu.memory_space<vmem>>
        %dma_start3A_121 = arith.constant 0 : i32
        %dma_start3A_122 = arith.constant 0 : i32
        %dma_start3A_123 = tpu.memref_slice %arg4[%dma_start3A_121, %dma_start3A_122] : memref<10240x128xf32, #tpu.memory_space<hbm>> -> memref<10240x128xf32, #tpu.memory_space<hbm>>
        tpu.enqueue_indirect_dma source(%dma_start3A_123 : memref<10240x128xf32, #tpu.memory_space<hbm>>) target(%arg10 : memref<128x128xf32, #tpu.memory_space<vmem>>) offsets(%dma_start3A_120 : memref<128xi32, #tpu.memory_space<vmem>>) semaphore(%arg12 : memref<!tpu.dma_semaphore, #tpu.memory_space<semaphore_mem>>)
        %add3A_124 = arith.constant 2 : i32
        %add3A_125 = arith.addi %mul3A_53, %add3A_124 : i32
        %dma_start3A_126 = arith.constant 0 : i32
        %dma_start3A_127 = arith.constant 0 : i32
        %dma_start3A_128 = tpu.memref_slice %arg3[%add3A, %dma_start3A_126, %dma_start3A_127] : memref<32x80x128xi32, #tpu.memory_space<hbm>> -> memref<1x80x128xi32, #tpu.memory_space<hbm>>
        %dma_start3A_129 = tpu.memref_squeeze %dma_start3A_128 : memref<1x80x128xi32, #tpu.memory_space<hbm>> -> memref<80x128xi32, #tpu.memory_space<hbm>>
        %dma_start3A_130 = arith.constant 0 : i32
        %dma_start3A_131 = tpu.memref_slice %dma_start3A_129[%add3A_125, %dma_start3A_130] : memref<80x128xi32, #tpu.memory_space<hbm>> -> memref<1x128xi32, #tpu.memory_space<hbm>>
        %dma_start3A_132 = tpu.memref_squeeze %dma_start3A_131 : memref<1x128xi32, #tpu.memory_space<hbm>> -> memref<128xi32, #tpu.memory_space<hbm>>
        %dma_start3A_133 = arith.constant 0 : i32
        %dma_start3A_134 = arith.constant 0 : i32
        %dma_start3A_135 = tpu.memref_slice %arg3[%add3A, %dma_start3A_133, %dma_start3A_134] : memref<32x80x128xi32, #tpu.memory_space<hbm>> -> memref<1x80x128xi32, #tpu.memory_space<hbm>>
        %dma_start3A_136 = tpu.memref_squeeze %dma_start3A_135 : memref<1x80x128xi32, #tpu.memory_space<hbm>> -> memref<80x128xi32, #tpu.memory_space<hbm>>
        %dma_start3A_137 = arith.constant 0 : i32
        %dma_start3A_138 = tpu.memref_slice %dma_start3A_136[%add3A_125, %dma_start3A_137] : memref<80x128xi32, #tpu.memory_space<hbm>> -> memref<1x128xi32, #tpu.memory_space<hbm>>
        %dma_start3A_139 = tpu.memref_squeeze %dma_start3A_138 : memref<1x128xi32, #tpu.memory_space<hbm>> -> memref<128xi32, #tpu.memory_space<hbm>>
        tpu.enqueue_dma source(%dma_start3A_139 : memref<128xi32, #tpu.memory_space<hbm>>) target(%arg8 : memref<128xi32, #tpu.memory_space<vmem>>) target_semaphore(%arg14 : memref<!tpu.dma_semaphore, #tpu.memory_space<semaphore_mem>>)
      } else {
      }
      %dma_wait3A_87 = arith.constant 0 : i32
      %dma_wait3A_88 = arith.constant 0 : i32
      %dma_wait3A_89 = tpu.memref_slice %arg4[%dma_wait3A_87, %dma_wait3A_88] : memref<10240x128xf32, #tpu.memory_space<hbm>> -> memref<128x128xf32, #tpu.memory_space<hbm>>
      %dma_wait3A_90 = arith.constant 0 : i32
      %dma_wait3A_91 = arith.constant 0 : i32
      %dma_wait3A_92 = tpu.memref_slice %arg4[%dma_wait3A_90, %dma_wait3A_91] : memref<10240x128xf32, #tpu.memory_space<hbm>> -> memref<128x128xf32, #tpu.memory_space<hbm>>
      tpu.wait_dma2 semaphore(%arg13 : memref<!tpu.dma_semaphore, #tpu.memory_space<semaphore_mem>>) src(%dma_wait3A_92 : memref<128x128xf32, #tpu.memory_space<hbm>>) dst(%arg11 : memref<128x128xf32, #tpu.memory_space<vmem>>)
      %dma_wait3A_93 = arith.constant 0 : i32
      %dma_wait3A_94 = arith.constant 0 : i32
      %dma_wait3A_95 = arith.constant 0 : i32
      %dma_wait3A_96 = arith.constant 0 : i32
      %dma_wait3A_97 = tpu.memref_slice %arg3[%dma_wait3A_93, %dma_wait3A_95, %dma_wait3A_96] : memref<32x80x128xi32, #tpu.memory_space<hbm>> -> memref<1x80x128xi32, #tpu.memory_space<hbm>>
      %dma_wait3A_98 = tpu.memref_squeeze %dma_wait3A_97 : memref<1x80x128xi32, #tpu.memory_space<hbm>> -> memref<80x128xi32, #tpu.memory_space<hbm>>
      %dma_wait3A_99 = arith.constant 0 : i32
      %dma_wait3A_100 = tpu.memref_slice %dma_wait3A_98[%dma_wait3A_94, %dma_wait3A_99] : memref<80x128xi32, #tpu.memory_space<hbm>> -> memref<1x128xi32, #tpu.memory_space<hbm>>
      %dma_wait3A_101 = tpu.memref_squeeze %dma_wait3A_100 : memref<1x128xi32, #tpu.memory_space<hbm>> -> memref<128xi32, #tpu.memory_space<hbm>>
      %dma_wait3A_102 = arith.constant 0 : i32
      %dma_wait3A_103 = arith.constant 0 : i32
      %dma_wait3A_104 = tpu.memref_slice %arg3[%dma_wait3A_93, %dma_wait3A_102, %dma_wait3A_103] : memref<32x80x128xi32, #tpu.memory_space<hbm>> -> memref<1x80x128xi32, #tpu.memory_space<hbm>>
      %dma_wait3A_105 = tpu.memref_squeeze %dma_wait3A_104 : memref<1x80x128xi32, #tpu.memory_space<hbm>> -> memref<80x128xi32, #tpu.memory_space<hbm>>
      %dma_wait3A_106 = arith.constant 0 : i32
      %dma_wait3A_107 = tpu.memref_slice %dma_wait3A_105[%dma_wait3A_94, %dma_wait3A_106] : memref<80x128xi32, #tpu.memory_space<hbm>> -> memref<1x128xi32, #tpu.memory_space<hbm>>
      %dma_wait3A_108 = tpu.memref_squeeze %dma_wait3A_107 : memref<1x128xi32, #tpu.memory_space<hbm>> -> memref<128xi32, #tpu.memory_space<hbm>>
      tpu.wait_dma2 semaphore(%arg15 : memref<!tpu.dma_semaphore, #tpu.memory_space<semaphore_mem>>) src(%dma_wait3A_108 : memref<128xi32, #tpu.memory_space<hbm>>) dst(%arg9 : memref<128xi32, #tpu.memory_space<vmem>>)
      "tpu.region"() ({
        %run_scoped3A = tpu.sem_alloc : memref<!tpu.dma_semaphore, #tpu.memory_space<semaphore_mem>>
        %dma_start3A_116 = arith.constant 0 : i32
        %dma_start3A_117 = arith.constant 0 : i32
        %dma_start3A_118 = tpu.memref_slice %arg6[%dma_start3A_116, %dma_start3A_117] : memref<10240x128xf32, #tpu.memory_space<vmem_shared>> -> memref<10240x128xf32, #tpu.memory_space<vmem_shared>>
        tpu.enqueue_indirect_dma source(%arg11 : memref<128x128xf32, #tpu.memory_space<vmem>>) target(%dma_start3A_118 : memref<10240x128xf32, #tpu.memory_space<vmem_shared>>) offsets(%arg9 : memref<128xi32, #tpu.memory_space<vmem>>) semaphore(%run_scoped3A : memref<!tpu.dma_semaphore, #tpu.memory_space<semaphore_mem>>) {add = true}
        %dma_wait3A_119 = arith.constant 0 : i32
        %dma_wait3A_120 = arith.constant 0 : i32
        %dma_wait3A_121 = tpu.memref_slice %arg6[%dma_wait3A_119, %dma_wait3A_120] : memref<10240x128xf32, #tpu.memory_space<vmem_shared>> -> memref<10240x128xf32, #tpu.memory_space<vmem_shared>>
        tpu.wait_indirect_dma semaphore(%run_scoped3A : memref<!tpu.dma_semaphore, #tpu.memory_space<semaphore_mem>>) src(%arg11 : memref<128x128xf32, #tpu.memory_space<vmem>>) dst(%dma_wait3A_121 : memref<10240x128xf32, #tpu.memory_space<vmem_shared>>)
        tpu.yield
      }) : () -> ()
      %add3A_109 = arith.constant 3 : i32
      %add3A_110 = arith.addi %mul3A_53, %add3A_109 : i32
      %lt3A_111 = arith.constant 80 : i32
      %lt3A_112 = arith.cmpi slt, %add3A_110, %lt3A_111 : i32
      %convert_element_type3A_113 = arith.extui %lt3A_112 : i1 to i32
      %cond3A_114 = arith.constant 0 : i32
      %cond3A_115 = arith.cmpi ne, %convert_element_type3A_113, %cond3A_114 : i32
      scf.if %cond3A_115 {
        %add3A_116 = arith.constant 3 : i32
        %add3A_117 = arith.addi %mul3A_53, %add3A_116 : i32
        %dma_start3A_118 = arith.constant 0 : i32
        %dma_start3A_119 = arith.constant 0 : i32
        %dma_start3A_120 = tpu.memref_slice %arg3[%add3A, %dma_start3A_118, %dma_start3A_119] : memref<32x80x128xi32, #tpu.memory_space<hbm>> -> memref<1x80x128xi32, #tpu.memory_space<hbm>>
        %dma_start3A_121 = tpu.memref_squeeze %dma_start3A_120 : memref<1x80x128xi32, #tpu.memory_space<hbm>> -> memref<80x128xi32, #tpu.memory_space<hbm>>
        %dma_start3A_122 = arith.constant 0 : i32
        %dma_start3A_123 = tpu.memref_slice %dma_start3A_121[%add3A_117, %dma_start3A_122] : memref<80x128xi32, #tpu.memory_space<hbm>> -> memref<1x128xi32, #tpu.memory_space<hbm>>
        %dma_start3A_124 = tpu.memref_squeeze %dma_start3A_123 : memref<1x128xi32, #tpu.memory_space<hbm>> -> memref<128xi32, #tpu.memory_space<hbm>>
        %dma_start3A_125 = arith.constant 0 : i32
        %dma_start3A_126 = arith.constant 0 : i32
        %dma_start3A_127 = tpu.memref_slice %arg3[%add3A, %dma_start3A_125, %dma_start3A_126] : memref<32x80x128xi32, #tpu.memory_space<hbm>> -> memref<1x80x128xi32, #tpu.memory_space<hbm>>
        %dma_start3A_128 = tpu.memref_squeeze %dma_start3A_127 : memref<1x80x128xi32, #tpu.memory_space<hbm>> -> memref<80x128xi32, #tpu.memory_space<hbm>>
        %dma_start3A_129 = arith.constant 0 : i32
        %dma_start3A_130 = tpu.memref_slice %dma_start3A_128[%add3A_117, %dma_start3A_129] : memref<80x128xi32, #tpu.memory_space<hbm>> -> memref<1x128xi32, #tpu.memory_space<hbm>>
        %dma_start3A_131 = tpu.memref_squeeze %dma_start3A_130 : memref<1x128xi32, #tpu.memory_space<hbm>> -> memref<128xi32, #tpu.memory_space<hbm>>
        tpu.enqueue_dma source(%dma_start3A_131 : memref<128xi32, #tpu.memory_space<hbm>>) target(%arg9 : memref<128xi32, #tpu.memory_space<vmem>>) target_semaphore(%arg15 : memref<!tpu.dma_semaphore, #tpu.memory_space<semaphore_mem>>)
      } else {
      }
    }
    %scan3A_45 = arith.constant 40 : i32
    %barrier3A_46 = arith.constant 0 : index
    tpu.barrier barrier_id(%barrier3A_46)
    %mul3A_47 = arith.constant 640 : i32
    %mul3A_48 = arith.muli %arg1, %mul3A_47 : i32
    %mul3A_49 = arith.constant 640 : i32
    %mul3A_50 = arith.muli %arg1, %mul3A_49 : i32
    "tpu.region"() ({
      %run_scoped3A = tpu.sem_alloc : memref<!tpu.dma_semaphore, #tpu.memory_space<semaphore_mem>>
      %dma_start3A_51 = arith.constant 0 : i32
      %dma_start3A_52 = arith.constant 0 : i32
      %dma_start3A_53 = tpu.memref_slice %arg5[%arg0, %dma_start3A_51, %dma_start3A_52] : memref<2x10240x128xf32, #tpu.memory_space<hbm>> -> memref<1x10240x128xf32, #tpu.memory_space<hbm>>
      %dma_start3A_54 = tpu.memref_squeeze %dma_start3A_53 : memref<1x10240x128xf32, #tpu.memory_space<hbm>> -> memref<10240x128xf32, #tpu.memory_space<hbm>>
      %dma_start3A_55 = arith.constant 0 : i32
      %dma_start3A_56 = tpu.memref_slice %dma_start3A_54[%mul3A_50, %dma_start3A_55] : memref<10240x128xf32, #tpu.memory_space<hbm>> -> memref<640x128xf32, #tpu.memory_space<hbm>>
      %dma_start3A_57 = arith.constant 0 : i32
      %dma_start3A_58 = tpu.memref_slice %arg6[%mul3A_48, %dma_start3A_57] : memref<10240x128xf32, #tpu.memory_space<vmem_shared>> -> memref<640x128xf32, #tpu.memory_space<vmem_shared>>
      tpu.enqueue_dma source(%dma_start3A_58 : memref<640x128xf32, #tpu.memory_space<vmem_shared>>) target(%dma_start3A_56 : memref<640x128xf32, #tpu.memory_space<hbm>>) target_semaphore(%run_scoped3A : memref<!tpu.dma_semaphore, #tpu.memory_space<semaphore_mem>>)
      %dma_wait3A = arith.constant 0 : i32
      %dma_wait3A_59 = arith.constant 0 : i32
      %dma_wait3A_60 = tpu.memref_slice %arg5[%arg0, %dma_wait3A, %dma_wait3A_59] : memref<2x10240x128xf32, #tpu.memory_space<hbm>> -> memref<1x10240x128xf32, #tpu.memory_space<hbm>>
      %dma_wait3A_61 = tpu.memref_squeeze %dma_wait3A_60 : memref<1x10240x128xf32, #tpu.memory_space<hbm>> -> memref<10240x128xf32, #tpu.memory_space<hbm>>
      %dma_wait3A_62 = arith.constant 0 : i32
      %dma_wait3A_63 = tpu.memref_slice %dma_wait3A_61[%mul3A_50, %dma_wait3A_62] : memref<10240x128xf32, #tpu.memory_space<hbm>> -> memref<640x128xf32, #tpu.memory_space<hbm>>
      %dma_wait3A_64 = arith.constant 0 : i32
      %dma_wait3A_65 = tpu.memref_slice %arg6[%mul3A_48, %dma_wait3A_64] : memref<10240x128xf32, #tpu.memory_space<vmem_shared>> -> memref<640x128xf32, #tpu.memory_space<vmem_shared>>
      tpu.wait_dma2 semaphore(%run_scoped3A : memref<!tpu.dma_semaphore, #tpu.memory_space<semaphore_mem>>) src(%dma_wait3A_65 : memref<640x128xf32, #tpu.memory_space<vmem_shared>>) dst(%dma_wait3A_63 : memref<640x128xf32, #tpu.memory_space<hbm>>)
      tpu.yield
    }) : () -> ()
    return
  }
}

#map = affine_map<(d0, d1) -> (0, 0, 0)>
#map1 = affine_map<(d0, d1) -> (0, 0)>
module attributes {stable_mosaic.version = 14 : i64} {
  func.func @_deg_body(%arg0: i32, %arg1: i32, %arg2: memref<32x80x128xi32, #tpu.memory_space<hbm>>, %arg3: memref<2x10240xf32, #tpu.memory_space<hbm>>, %arg4: memref<10240xf32, #tpu.memory_space<vmem_shared>>, %arg5: memref<128xi32, #tpu.memory_space<vmem>>, %arg6: memref<128xf32, #tpu.memory_space<vmem>>, %arg7: memref<640xf32, #tpu.memory_space<vmem>>, %arg8: memref<!tpu.dma_semaphore, #tpu.memory_space<semaphore_mem>>) attributes {dimension_semantics = [#tpu.dimension_semantics<core_parallel>, #tpu.dimension_semantics<subcore_parallel>], iteration_bounds = array<i64: 2, 16>, scalar_prefetch = 0 : i64, scratch_operands = 5 : i64, tpu.core_type = #tpu.core_type<sc_vector_subcore>, window_params = [{transform_indices = #map}, {transform_indices = #map1}]} {
    %mul3A = arith.constant 16 : i32
    %mul3A_0 = arith.muli %arg0, %mul3A : i32
    %add3A = arith.addi %mul3A_0, %arg1 : i32
    %broadcast_in_dim3A = arith.constant 0.000000e+00 : f32
    %broadcast_in_dim3A_1 = vector.broadcast %broadcast_in_dim3A : f32 to vector<16xf32>
    %swap3A = arith.constant 0 : index
    %swap3A_2 = tpu.vector_load %arg7[%swap3A] {strides = array<i32>} : memref<640xf32, #tpu.memory_space<vmem>>, vector<16xf32>,
    %swap3A_3 = vector.shape_cast %swap3A_2 : vector<16xf32> to vector<16xf32>
    %swap3A_4 = vector.shape_cast %broadcast_in_dim3A_1 : vector<16xf32> to vector<16xf32>
    tpu.vector_store %arg7[%swap3A], %swap3A_4 {strides = array<i32>} : memref<640xf32, #tpu.memory_space<vmem>>, vector<16xf32>,
    %broadcast_in_dim3A_5 = arith.constant 0.000000e+00 : f32
    %broadcast_in_dim3A_6 = vector.broadcast %broadcast_in_dim3A_5 : f32 to vector<16xf32>
    %swap3A_7 = arith.constant 16 : index
    %swap3A_8 = tpu.vector_load %arg7[%swap3A_7] {strides = array<i32>} : memref<640xf32, #tpu.memory_space<vmem>>, vector<16xf32>,
    %swap3A_9 = vector.shape_cast %swap3A_8 : vector<16xf32> to vector<16xf32>
    %swap3A_10 = vector.shape_cast %broadcast_in_dim3A_6 : vector<16xf32> to vector<16xf32>
    tpu.vector_store %arg7[%swap3A_7], %swap3A_10 {strides = array<i32>} : memref<640xf32, #tpu.memory_space<vmem>>, vector<16xf32>,
    %broadcast_in_dim3A_11 = arith.constant 0.000000e+00 : f32
    %broadcast_in_dim3A_12 = vector.broadcast %broadcast_in_dim3A_11 : f32 to vector<16xf32>
    %swap3A_13 = arith.constant 32 : index
    %swap3A_14 = tpu.vector_load %arg7[%swap3A_13] {strides = array<i32>} : memref<640xf32, #tpu.memory_space<vmem>>, vector<16xf32>,
    %swap3A_15 = vector.shape_cast %swap3A_14 : vector<16xf32> to vector<16xf32>
    %swap3A_16 = vector.shape_cast %broadcast_in_dim3A_12 : vector<16xf32> to vector<16xf32>
    tpu.vector_store %arg7[%swap3A_13], %swap3A_16 {strides = array<i32>} : memref<640xf32, #tpu.memory_space<vmem>>, vector<16xf32>,
    %broadcast_in_dim3A_17 = arith.constant 0.000000e+00 : f32
    %broadcast_in_dim3A_18 = vector.broadcast %broadcast_in_dim3A_17 : f32 to vector<16xf32>
    %swap3A_19 = arith.constant 48 : index
    %swap3A_20 = tpu.vector_load %arg7[%swap3A_19] {strides = array<i32>} : memref<640xf32, #tpu.memory_space<vmem>>, vector<16xf32>,
    %swap3A_21 = vector.shape_cast %swap3A_20 : vector<16xf32> to vector<16xf32>
    %swap3A_22 = vector.shape_cast %broadcast_in_dim3A_18 : vector<16xf32> to vector<16xf32>
    tpu.vector_store %arg7[%swap3A_19], %swap3A_22 {strides = array<i32>} : memref<640xf32, #tpu.memory_space<vmem>>, vector<16xf32>,
    %broadcast_in_dim3A_23 = arith.constant 0.000000e+00 : f32
    %broadcast_in_dim3A_24 = vector.broadcast %broadcast_in_dim3A_23 : f32 to vector<16xf32>
    %swap3A_25 = arith.constant 64 : index
    %swap3A_26 = tpu.vector_load %arg7[%swap3A_25] {strides = array<i32>} : memref<640xf32, #tpu.memory_space<vmem>>, vector<16xf32>,
    %swap3A_27 = vector.shape_cast %swap3A_26 : vector<16xf32> to vector<16xf32>
    %swap3A_28 = vector.shape_cast %broadcast_in_dim3A_24 : vector<16xf32> to vector<16xf32>
    tpu.vector_store %arg7[%swap3A_25], %swap3A_28 {strides = array<i32>} : memref<640xf32, #tpu.memory_space<vmem>>, vector<16xf32>,
    %broadcast_in_dim3A_29 = arith.constant 0.000000e+00 : f32
    %broadcast_in_dim3A_30 = vector.broadcast %broadcast_in_dim3A_29 : f32 to vector<16xf32>
    %swap3A_31 = arith.constant 80 : index
    %swap3A_32 = tpu.vector_load %arg7[%swap3A_31] {strides = array<i32>} : memref<640xf32, #tpu.memory_space<vmem>>, vector<16xf32>,
    %swap3A_33 = vector.shape_cast %swap3A_32 : vector<16xf32> to vector<16xf32>
    %swap3A_34 = vector.shape_cast %broadcast_in_dim3A_30 : vector<16xf32> to vector<16xf32>
    tpu.vector_store %arg7[%swap3A_31], %swap3A_34 {strides = array<i32>} : memref<640xf32, #tpu.memory_space<vmem>>, vector<16xf32>,
    %broadcast_in_dim3A_35 = arith.constant 0.000000e+00 : f32
    %broadcast_in_dim3A_36 = vector.broadcast %broadcast_in_dim3A_35 : f32 to vector<16xf32>
    %swap3A_37 = arith.constant 96 : index
    %swap3A_38 = tpu.vector_load %arg7[%swap3A_37] {strides = array<i32>} : memref<640xf32, #tpu.memory_space<vmem>>, vector<16xf32>,
    %swap3A_39 = vector.shape_cast %swap3A_38 : vector<16xf32> to vector<16xf32>
    %swap3A_40 = vector.shape_cast %broadcast_in_dim3A_36 : vector<16xf32> to vector<16xf32>
    tpu.vector_store %arg7[%swap3A_37], %swap3A_40 {strides = array<i32>} : memref<640xf32, #tpu.memory_space<vmem>>, vector<16xf32>,
    %broadcast_in_dim3A_41 = arith.constant 0.000000e+00 : f32
    %broadcast_in_dim3A_42 = vector.broadcast %broadcast_in_dim3A_41 : f32 to vector<16xf32>
    %swap3A_43 = arith.constant 112 : index
    %swap3A_44 = tpu.vector_load %arg7[%swap3A_43] {strides = array<i32>} : memref<640xf32, #tpu.memory_space<vmem>>, vector<16xf32>,
    %swap3A_45 = vector.shape_cast %swap3A_44 : vector<16xf32> to vector<16xf32>
    %swap3A_46 = vector.shape_cast %broadcast_in_dim3A_42 : vector<16xf32> to vector<16xf32>
    tpu.vector_store %arg7[%swap3A_43], %swap3A_46 {strides = array<i32>} : memref<640xf32, #tpu.memory_space<vmem>>, vector<16xf32>,
    %broadcast_in_dim3A_47 = arith.constant 0.000000e+00 : f32
    %broadcast_in_dim3A_48 = vector.broadcast %broadcast_in_dim3A_47 : f32 to vector<16xf32>
    %swap3A_49 = arith.constant 128 : index
    %swap3A_50 = tpu.vector_load %arg7[%swap3A_49] {strides = array<i32>} : memref<640xf32, #tpu.memory_space<vmem>>, vector<16xf32>,
    %swap3A_51 = vector.shape_cast %swap3A_50 : vector<16xf32> to vector<16xf32>
    %swap3A_52 = vector.shape_cast %broadcast_in_dim3A_48 : vector<16xf32> to vector<16xf32>
    tpu.vector_store %arg7[%swap3A_49], %swap3A_52 {strides = array<i32>} : memref<640xf32, #tpu.memory_space<vmem>>, vector<16xf32>,
    %broadcast_in_dim3A_53 = arith.constant 0.000000e+00 : f32
    %broadcast_in_dim3A_54 = vector.broadcast %broadcast_in_dim3A_53 : f32 to vector<16xf32>
    %swap3A_55 = arith.constant 144 : index
    %swap3A_56 = tpu.vector_load %arg7[%swap3A_55] {strides = array<i32>} : memref<640xf32, #tpu.memory_space<vmem>>, vector<16xf32>,
    %swap3A_57 = vector.shape_cast %swap3A_56 : vector<16xf32> to vector<16xf32>
    %swap3A_58 = vector.shape_cast %broadcast_in_dim3A_54 : vector<16xf32> to vector<16xf32>
    tpu.vector_store %arg7[%swap3A_55], %swap3A_58 {strides = array<i32>} : memref<640xf32, #tpu.memory_space<vmem>>, vector<16xf32>,
    %broadcast_in_dim3A_59 = arith.constant 0.000000e+00 : f32
    %broadcast_in_dim3A_60 = vector.broadcast %broadcast_in_dim3A_59 : f32 to vector<16xf32>
    %swap3A_61 = arith.constant 160 : index
    %swap3A_62 = tpu.vector_load %arg7[%swap3A_61] {strides = array<i32>} : memref<640xf32, #tpu.memory_space<vmem>>, vector<16xf32>,
    %swap3A_63 = vector.shape_cast %swap3A_62 : vector<16xf32> to vector<16xf32>
    %swap3A_64 = vector.shape_cast %broadcast_in_dim3A_60 : vector<16xf32> to vector<16xf32>
    tpu.vector_store %arg7[%swap3A_61], %swap3A_64 {strides = array<i32>} : memref<640xf32, #tpu.memory_space<vmem>>, vector<16xf32>,
    %broadcast_in_dim3A_65 = arith.constant 0.000000e+00 : f32
    %broadcast_in_dim3A_66 = vector.broadcast %broadcast_in_dim3A_65 : f32 to vector<16xf32>
    %swap3A_67 = arith.constant 176 : index
    %swap3A_68 = tpu.vector_load %arg7[%swap3A_67] {strides = array<i32>} : memref<640xf32, #tpu.memory_space<vmem>>, vector<16xf32>,
    %swap3A_69 = vector.shape_cast %swap3A_68 : vector<16xf32> to vector<16xf32>
    %swap3A_70 = vector.shape_cast %broadcast_in_dim3A_66 : vector<16xf32> to vector<16xf32>
    tpu.vector_store %arg7[%swap3A_67], %swap3A_70 {strides = array<i32>} : memref<640xf32, #tpu.memory_space<vmem>>, vector<16xf32>,
    %broadcast_in_dim3A_71 = arith.constant 0.000000e+00 : f32
    %broadcast_in_dim3A_72 = vector.broadcast %broadcast_in_dim3A_71 : f32 to vector<16xf32>
    %swap3A_73 = arith.constant 192 : index
    %swap3A_74 = tpu.vector_load %arg7[%swap3A_73] {strides = array<i32>} : memref<640xf32, #tpu.memory_space<vmem>>, vector<16xf32>,
    %swap3A_75 = vector.shape_cast %swap3A_74 : vector<16xf32> to vector<16xf32>
    %swap3A_76 = vector.shape_cast %broadcast_in_dim3A_72 : vector<16xf32> to vector<16xf32>
    tpu.vector_store %arg7[%swap3A_73], %swap3A_76 {strides = array<i32>} : memref<640xf32, #tpu.memory_space<vmem>>, vector<16xf32>,
    %broadcast_in_dim3A_77 = arith.constant 0.000000e+00 : f32
    %broadcast_in_dim3A_78 = vector.broadcast %broadcast_in_dim3A_77 : f32 to vector<16xf32>
    %swap3A_79 = arith.constant 208 : index
    %swap3A_80 = tpu.vector_load %arg7[%swap3A_79] {strides = array<i32>} : memref<640xf32, #tpu.memory_space<vmem>>, vector<16xf32>,
    %swap3A_81 = vector.shape_cast %swap3A_80 : vector<16xf32> to vector<16xf32>
    %swap3A_82 = vector.shape_cast %broadcast_in_dim3A_78 : vector<16xf32> to vector<16xf32>
    tpu.vector_store %arg7[%swap3A_79], %swap3A_82 {strides = array<i32>} : memref<640xf32, #tpu.memory_space<vmem>>, vector<16xf32>,
    %broadcast_in_dim3A_83 = arith.constant 0.000000e+00 : f32
    %broadcast_in_dim3A_84 = vector.broadcast %broadcast_in_dim3A_83 : f32 to vector<16xf32>
    %swap3A_85 = arith.constant 224 : index
    %swap3A_86 = tpu.vector_load %arg7[%swap3A_85] {strides = array<i32>} : memref<640xf32, #tpu.memory_space<vmem>>, vector<16xf32>,
    %swap3A_87 = vector.shape_cast %swap3A_86 : vector<16xf32> to vector<16xf32>
    %swap3A_88 = vector.shape_cast %broadcast_in_dim3A_84 : vector<16xf32> to vector<16xf32>
    tpu.vector_store %arg7[%swap3A_85], %swap3A_88 {strides = array<i32>} : memref<640xf32, #tpu.memory_space<vmem>>, vector<16xf32>,
    %broadcast_in_dim3A_89 = arith.constant 0.000000e+00 : f32
    %broadcast_in_dim3A_90 = vector.broadcast %broadcast_in_dim3A_89 : f32 to vector<16xf32>
    %swap3A_91 = arith.constant 240 : index
    %swap3A_92 = tpu.vector_load %arg7[%swap3A_91] {strides = array<i32>} : memref<640xf32, #tpu.memory_space<vmem>>, vector<16xf32>,
    %swap3A_93 = vector.shape_cast %swap3A_92 : vector<16xf32> to vector<16xf32>
    %swap3A_94 = vector.shape_cast %broadcast_in_dim3A_90 : vector<16xf32> to vector<16xf32>
    tpu.vector_store %arg7[%swap3A_91], %swap3A_94 {strides = array<i32>} : memref<640xf32, #tpu.memory_space<vmem>>, vector<16xf32>,
    %broadcast_in_dim3A_95 = arith.constant 0.000000e+00 : f32
    %broadcast_in_dim3A_96 = vector.broadcast %broadcast_in_dim3A_95 : f32 to vector<16xf32>
    %swap3A_97 = arith.constant 256 : index
    %swap3A_98 = tpu.vector_load %arg7[%swap3A_97] {strides = array<i32>} : memref<640xf32, #tpu.memory_space<vmem>>, vector<16xf32>,
    %swap3A_99 = vector.shape_cast %swap3A_98 : vector<16xf32> to vector<16xf32>
    %swap3A_100 = vector.shape_cast %broadcast_in_dim3A_96 : vector<16xf32> to vector<16xf32>
    tpu.vector_store %arg7[%swap3A_97], %swap3A_100 {strides = array<i32>} : memref<640xf32, #tpu.memory_space<vmem>>, vector<16xf32>,
    %broadcast_in_dim3A_101 = arith.constant 0.000000e+00 : f32
    %broadcast_in_dim3A_102 = vector.broadcast %broadcast_in_dim3A_101 : f32 to vector<16xf32>
    %swap3A_103 = arith.constant 272 : index
    %swap3A_104 = tpu.vector_load %arg7[%swap3A_103] {strides = array<i32>} : memref<640xf32, #tpu.memory_space<vmem>>, vector<16xf32>,
    %swap3A_105 = vector.shape_cast %swap3A_104 : vector<16xf32> to vector<16xf32>
    %swap3A_106 = vector.shape_cast %broadcast_in_dim3A_102 : vector<16xf32> to vector<16xf32>
    tpu.vector_store %arg7[%swap3A_103], %swap3A_106 {strides = array<i32>} : memref<640xf32, #tpu.memory_space<vmem>>, vector<16xf32>,
    %broadcast_in_dim3A_107 = arith.constant 0.000000e+00 : f32
    %broadcast_in_dim3A_108 = vector.broadcast %broadcast_in_dim3A_107 : f32 to vector<16xf32>
    %swap3A_109 = arith.constant 288 : index
    %swap3A_110 = tpu.vector_load %arg7[%swap3A_109] {strides = array<i32>} : memref<640xf32, #tpu.memory_space<vmem>>, vector<16xf32>,
    %swap3A_111 = vector.shape_cast %swap3A_110 : vector<16xf32> to vector<16xf32>
    %swap3A_112 = vector.shape_cast %broadcast_in_dim3A_108 : vector<16xf32> to vector<16xf32>
    tpu.vector_store %arg7[%swap3A_109], %swap3A_112 {strides = array<i32>} : memref<640xf32, #tpu.memory_space<vmem>>, vector<16xf32>,
    %broadcast_in_dim3A_113 = arith.constant 0.000000e+00 : f32
    %broadcast_in_dim3A_114 = vector.broadcast %broadcast_in_dim3A_113 : f32 to vector<16xf32>
    %swap3A_115 = arith.constant 304 : index
    %swap3A_116 = tpu.vector_load %arg7[%swap3A_115] {strides = array<i32>} : memref<640xf32, #tpu.memory_space<vmem>>, vector<16xf32>,
    %swap3A_117 = vector.shape_cast %swap3A_116 : vector<16xf32> to vector<16xf32>
    %swap3A_118 = vector.shape_cast %broadcast_in_dim3A_114 : vector<16xf32> to vector<16xf32>
    tpu.vector_store %arg7[%swap3A_115], %swap3A_118 {strides = array<i32>} : memref<640xf32, #tpu.memory_space<vmem>>, vector<16xf32>,
    %broadcast_in_dim3A_119 = arith.constant 0.000000e+00 : f32
    %broadcast_in_dim3A_120 = vector.broadcast %broadcast_in_dim3A_119 : f32 to vector<16xf32>
    %swap3A_121 = arith.constant 320 : index
    %swap3A_122 = tpu.vector_load %arg7[%swap3A_121] {strides = array<i32>} : memref<640xf32, #tpu.memory_space<vmem>>, vector<16xf32>,
    %swap3A_123 = vector.shape_cast %swap3A_122 : vector<16xf32> to vector<16xf32>
    %swap3A_124 = vector.shape_cast %broadcast_in_dim3A_120 : vector<16xf32> to vector<16xf32>
    tpu.vector_store %arg7[%swap3A_121], %swap3A_124 {strides = array<i32>} : memref<640xf32, #tpu.memory_space<vmem>>, vector<16xf32>,
    %broadcast_in_dim3A_125 = arith.constant 0.000000e+00 : f32
    %broadcast_in_dim3A_126 = vector.broadcast %broadcast_in_dim3A_125 : f32 to vector<16xf32>
    %swap3A_127 = arith.constant 336 : index
    %swap3A_128 = tpu.vector_load %arg7[%swap3A_127] {strides = array<i32>} : memref<640xf32, #tpu.memory_space<vmem>>, vector<16xf32>,
    %swap3A_129 = vector.shape_cast %swap3A_128 : vector<16xf32> to vector<16xf32>
    %swap3A_130 = vector.shape_cast %broadcast_in_dim3A_126 : vector<16xf32> to vector<16xf32>
    tpu.vector_store %arg7[%swap3A_127], %swap3A_130 {strides = array<i32>} : memref<640xf32, #tpu.memory_space<vmem>>, vector<16xf32>,
    %broadcast_in_dim3A_131 = arith.constant 0.000000e+00 : f32
    %broadcast_in_dim3A_132 = vector.broadcast %broadcast_in_dim3A_131 : f32 to vector<16xf32>
    %swap3A_133 = arith.constant 352 : index
    %swap3A_134 = tpu.vector_load %arg7[%swap3A_133] {strides = array<i32>} : memref<640xf32, #tpu.memory_space<vmem>>, vector<16xf32>,
    %swap3A_135 = vector.shape_cast %swap3A_134 : vector<16xf32> to vector<16xf32>
    %swap3A_136 = vector.shape_cast %broadcast_in_dim3A_132 : vector<16xf32> to vector<16xf32>
    tpu.vector_store %arg7[%swap3A_133], %swap3A_136 {strides = array<i32>} : memref<640xf32, #tpu.memory_space<vmem>>, vector<16xf32>,
    %broadcast_in_dim3A_137 = arith.constant 0.000000e+00 : f32
    %broadcast_in_dim3A_138 = vector.broadcast %broadcast_in_dim3A_137 : f32 to vector<16xf32>
    %swap3A_139 = arith.constant 368 : index
    %swap3A_140 = tpu.vector_load %arg7[%swap3A_139] {strides = array<i32>} : memref<640xf32, #tpu.memory_space<vmem>>, vector<16xf32>,
    %swap3A_141 = vector.shape_cast %swap3A_140 : vector<16xf32> to vector<16xf32>
    %swap3A_142 = vector.shape_cast %broadcast_in_dim3A_138 : vector<16xf32> to vector<16xf32>
    tpu.vector_store %arg7[%swap3A_139], %swap3A_142 {strides = array<i32>} : memref<640xf32, #tpu.memory_space<vmem>>, vector<16xf32>,
    %broadcast_in_dim3A_143 = arith.constant 0.000000e+00 : f32
    %broadcast_in_dim3A_144 = vector.broadcast %broadcast_in_dim3A_143 : f32 to vector<16xf32>
    %swap3A_145 = arith.constant 384 : index
    %swap3A_146 = tpu.vector_load %arg7[%swap3A_145] {strides = array<i32>} : memref<640xf32, #tpu.memory_space<vmem>>, vector<16xf32>,
    %swap3A_147 = vector.shape_cast %swap3A_146 : vector<16xf32> to vector<16xf32>
    %swap3A_148 = vector.shape_cast %broadcast_in_dim3A_144 : vector<16xf32> to vector<16xf32>
    tpu.vector_store %arg7[%swap3A_145], %swap3A_148 {strides = array<i32>} : memref<640xf32, #tpu.memory_space<vmem>>, vector<16xf32>,
    %broadcast_in_dim3A_149 = arith.constant 0.000000e+00 : f32
    %broadcast_in_dim3A_150 = vector.broadcast %broadcast_in_dim3A_149 : f32 to vector<16xf32>
    %swap3A_151 = arith.constant 400 : index
    %swap3A_152 = tpu.vector_load %arg7[%swap3A_151] {strides = array<i32>} : memref<640xf32, #tpu.memory_space<vmem>>, vector<16xf32>,
    %swap3A_153 = vector.shape_cast %swap3A_152 : vector<16xf32> to vector<16xf32>
    %swap3A_154 = vector.shape_cast %broadcast_in_dim3A_150 : vector<16xf32> to vector<16xf32>
    tpu.vector_store %arg7[%swap3A_151], %swap3A_154 {strides = array<i32>} : memref<640xf32, #tpu.memory_space<vmem>>, vector<16xf32>,
    %broadcast_in_dim3A_155 = arith.constant 0.000000e+00 : f32
    %broadcast_in_dim3A_156 = vector.broadcast %broadcast_in_dim3A_155 : f32 to vector<16xf32>
    %swap3A_157 = arith.constant 416 : index
    %swap3A_158 = tpu.vector_load %arg7[%swap3A_157] {strides = array<i32>} : memref<640xf32, #tpu.memory_space<vmem>>, vector<16xf32>,
    %swap3A_159 = vector.shape_cast %swap3A_158 : vector<16xf32> to vector<16xf32>
    %swap3A_160 = vector.shape_cast %broadcast_in_dim3A_156 : vector<16xf32> to vector<16xf32>
    tpu.vector_store %arg7[%swap3A_157], %swap3A_160 {strides = array<i32>} : memref<640xf32, #tpu.memory_space<vmem>>, vector<16xf32>,
    %broadcast_in_dim3A_161 = arith.constant 0.000000e+00 : f32
    %broadcast_in_dim3A_162 = vector.broadcast %broadcast_in_dim3A_161 : f32 to vector<16xf32>
    %swap3A_163 = arith.constant 432 : index
    %swap3A_164 = tpu.vector_load %arg7[%swap3A_163] {strides = array<i32>} : memref<640xf32, #tpu.memory_space<vmem>>, vector<16xf32>,
    %swap3A_165 = vector.shape_cast %swap3A_164 : vector<16xf32> to vector<16xf32>
    %swap3A_166 = vector.shape_cast %broadcast_in_dim3A_162 : vector<16xf32> to vector<16xf32>
    tpu.vector_store %arg7[%swap3A_163], %swap3A_166 {strides = array<i32>} : memref<640xf32, #tpu.memory_space<vmem>>, vector<16xf32>,
    %broadcast_in_dim3A_167 = arith.constant 0.000000e+00 : f32
    %broadcast_in_dim3A_168 = vector.broadcast %broadcast_in_dim3A_167 : f32 to vector<16xf32>
    %swap3A_169 = arith.constant 448 : index
    %swap3A_170 = tpu.vector_load %arg7[%swap3A_169] {strides = array<i32>} : memref<640xf32, #tpu.memory_space<vmem>>, vector<16xf32>,
    %swap3A_171 = vector.shape_cast %swap3A_170 : vector<16xf32> to vector<16xf32>
    %swap3A_172 = vector.shape_cast %broadcast_in_dim3A_168 : vector<16xf32> to vector<16xf32>
    tpu.vector_store %arg7[%swap3A_169], %swap3A_172 {strides = array<i32>} : memref<640xf32, #tpu.memory_space<vmem>>, vector<16xf32>,
    %broadcast_in_dim3A_173 = arith.constant 0.000000e+00 : f32
    %broadcast_in_dim3A_174 = vector.broadcast %broadcast_in_dim3A_173 : f32 to vector<16xf32>
    %swap3A_175 = arith.constant 464 : index
    %swap3A_176 = tpu.vector_load %arg7[%swap3A_175] {strides = array<i32>} : memref<640xf32, #tpu.memory_space<vmem>>, vector<16xf32>,
    %swap3A_177 = vector.shape_cast %swap3A_176 : vector<16xf32> to vector<16xf32>
    %swap3A_178 = vector.shape_cast %broadcast_in_dim3A_174 : vector<16xf32> to vector<16xf32>
    tpu.vector_store %arg7[%swap3A_175], %swap3A_178 {strides = array<i32>} : memref<640xf32, #tpu.memory_space<vmem>>, vector<16xf32>,
    %broadcast_in_dim3A_179 = arith.constant 0.000000e+00 : f32
    %broadcast_in_dim3A_180 = vector.broadcast %broadcast_in_dim3A_179 : f32 to vector<16xf32>
    %swap3A_181 = arith.constant 480 : index
    %swap3A_182 = tpu.vector_load %arg7[%swap3A_181] {strides = array<i32>} : memref<640xf32, #tpu.memory_space<vmem>>, vector<16xf32>,
    %swap3A_183 = vector.shape_cast %swap3A_182 : vector<16xf32> to vector<16xf32>
    %swap3A_184 = vector.shape_cast %broadcast_in_dim3A_180 : vector<16xf32> to vector<16xf32>
    tpu.vector_store %arg7[%swap3A_181], %swap3A_184 {strides = array<i32>} : memref<640xf32, #tpu.memory_space<vmem>>, vector<16xf32>,
    %broadcast_in_dim3A_185 = arith.constant 0.000000e+00 : f32
    %broadcast_in_dim3A_186 = vector.broadcast %broadcast_in_dim3A_185 : f32 to vector<16xf32>
    %swap3A_187 = arith.constant 496 : index
    %swap3A_188 = tpu.vector_load %arg7[%swap3A_187] {strides = array<i32>} : memref<640xf32, #tpu.memory_space<vmem>>, vector<16xf32>,
    %swap3A_189 = vector.shape_cast %swap3A_188 : vector<16xf32> to vector<16xf32>
    %swap3A_190 = vector.shape_cast %broadcast_in_dim3A_186 : vector<16xf32> to vector<16xf32>
    tpu.vector_store %arg7[%swap3A_187], %swap3A_190 {strides = array<i32>} : memref<640xf32, #tpu.memory_space<vmem>>, vector<16xf32>,
    %broadcast_in_dim3A_191 = arith.constant 0.000000e+00 : f32
    %broadcast_in_dim3A_192 = vector.broadcast %broadcast_in_dim3A_191 : f32 to vector<16xf32>
    %swap3A_193 = arith.constant 512 : index
    %swap3A_194 = tpu.vector_load %arg7[%swap3A_193] {strides = array<i32>} : memref<640xf32, #tpu.memory_space<vmem>>, vector<16xf32>,
    %swap3A_195 = vector.shape_cast %swap3A_194 : vector<16xf32> to vector<16xf32>
    %swap3A_196 = vector.shape_cast %broadcast_in_dim3A_192 : vector<16xf32> to vector<16xf32>
    tpu.vector_store %arg7[%swap3A_193], %swap3A_196 {strides = array<i32>} : memref<640xf32, #tpu.memory_space<vmem>>, vector<16xf32>,
    %broadcast_in_dim3A_197 = arith.constant 0.000000e+00 : f32
    %broadcast_in_dim3A_198 = vector.broadcast %broadcast_in_dim3A_197 : f32 to vector<16xf32>
    %swap3A_199 = arith.constant 528 : index
    %swap3A_200 = tpu.vector_load %arg7[%swap3A_199] {strides = array<i32>} : memref<640xf32, #tpu.memory_space<vmem>>, vector<16xf32>,
    %swap3A_201 = vector.shape_cast %swap3A_200 : vector<16xf32> to vector<16xf32>
    %swap3A_202 = vector.shape_cast %broadcast_in_dim3A_198 : vector<16xf32> to vector<16xf32>
    tpu.vector_store %arg7[%swap3A_199], %swap3A_202 {strides = array<i32>} : memref<640xf32, #tpu.memory_space<vmem>>, vector<16xf32>,
    %broadcast_in_dim3A_203 = arith.constant 0.000000e+00 : f32
    %broadcast_in_dim3A_204 = vector.broadcast %broadcast_in_dim3A_203 : f32 to vector<16xf32>
    %swap3A_205 = arith.constant 544 : index
    %swap3A_206 = tpu.vector_load %arg7[%swap3A_205] {strides = array<i32>} : memref<640xf32, #tpu.memory_space<vmem>>, vector<16xf32>,
    %swap3A_207 = vector.shape_cast %swap3A_206 : vector<16xf32> to vector<16xf32>
    %swap3A_208 = vector.shape_cast %broadcast_in_dim3A_204 : vector<16xf32> to vector<16xf32>
    tpu.vector_store %arg7[%swap3A_205], %swap3A_208 {strides = array<i32>} : memref<640xf32, #tpu.memory_space<vmem>>, vector<16xf32>,
    %broadcast_in_dim3A_209 = arith.constant 0.000000e+00 : f32
    %broadcast_in_dim3A_210 = vector.broadcast %broadcast_in_dim3A_209 : f32 to vector<16xf32>
    %swap3A_211 = arith.constant 560 : index
    %swap3A_212 = tpu.vector_load %arg7[%swap3A_211] {strides = array<i32>} : memref<640xf32, #tpu.memory_space<vmem>>, vector<16xf32>,
    %swap3A_213 = vector.shape_cast %swap3A_212 : vector<16xf32> to vector<16xf32>
    %swap3A_214 = vector.shape_cast %broadcast_in_dim3A_210 : vector<16xf32> to vector<16xf32>
    tpu.vector_store %arg7[%swap3A_211], %swap3A_214 {strides = array<i32>} : memref<640xf32, #tpu.memory_space<vmem>>, vector<16xf32>,
    %broadcast_in_dim3A_215 = arith.constant 0.000000e+00 : f32
    %broadcast_in_dim3A_216 = vector.broadcast %broadcast_in_dim3A_215 : f32 to vector<16xf32>
    %swap3A_217 = arith.constant 576 : index
    %swap3A_218 = tpu.vector_load %arg7[%swap3A_217] {strides = array<i32>} : memref<640xf32, #tpu.memory_space<vmem>>, vector<16xf32>,
    %swap3A_219 = vector.shape_cast %swap3A_218 : vector<16xf32> to vector<16xf32>
    %swap3A_220 = vector.shape_cast %broadcast_in_dim3A_216 : vector<16xf32> to vector<16xf32>
    tpu.vector_store %arg7[%swap3A_217], %swap3A_220 {strides = array<i32>} : memref<640xf32, #tpu.memory_space<vmem>>, vector<16xf32>,
    %broadcast_in_dim3A_221 = arith.constant 0.000000e+00 : f32
    %broadcast_in_dim3A_222 = vector.broadcast %broadcast_in_dim3A_221 : f32 to vector<16xf32>
    %swap3A_223 = arith.constant 592 : index
    %swap3A_224 = tpu.vector_load %arg7[%swap3A_223] {strides = array<i32>} : memref<640xf32, #tpu.memory_space<vmem>>, vector<16xf32>,
    %swap3A_225 = vector.shape_cast %swap3A_224 : vector<16xf32> to vector<16xf32>
    %swap3A_226 = vector.shape_cast %broadcast_in_dim3A_222 : vector<16xf32> to vector<16xf32>
    tpu.vector_store %arg7[%swap3A_223], %swap3A_226 {strides = array<i32>} : memref<640xf32, #tpu.memory_space<vmem>>, vector<16xf32>,
    %broadcast_in_dim3A_227 = arith.constant 0.000000e+00 : f32
    %broadcast_in_dim3A_228 = vector.broadcast %broadcast_in_dim3A_227 : f32 to vector<16xf32>
    %swap3A_229 = arith.constant 608 : index
    %swap3A_230 = tpu.vector_load %arg7[%swap3A_229] {strides = array<i32>} : memref<640xf32, #tpu.memory_space<vmem>>, vector<16xf32>,
    %swap3A_231 = vector.shape_cast %swap3A_230 : vector<16xf32> to vector<16xf32>
    %swap3A_232 = vector.shape_cast %broadcast_in_dim3A_228 : vector<16xf32> to vector<16xf32>
    tpu.vector_store %arg7[%swap3A_229], %swap3A_232 {strides = array<i32>} : memref<640xf32, #tpu.memory_space<vmem>>, vector<16xf32>,
    %broadcast_in_dim3A_233 = arith.constant 0.000000e+00 : f32
    %broadcast_in_dim3A_234 = vector.broadcast %broadcast_in_dim3A_233 : f32 to vector<16xf32>
    %swap3A_235 = arith.constant 624 : index
    %swap3A_236 = tpu.vector_load %arg7[%swap3A_235] {strides = array<i32>} : memref<640xf32, #tpu.memory_space<vmem>>, vector<16xf32>,
    %swap3A_237 = vector.shape_cast %swap3A_236 : vector<16xf32> to vector<16xf32>
    %swap3A_238 = vector.shape_cast %broadcast_in_dim3A_234 : vector<16xf32> to vector<16xf32>
    tpu.vector_store %arg7[%swap3A_235], %swap3A_238 {strides = array<i32>} : memref<640xf32, #tpu.memory_space<vmem>>, vector<16xf32>,
    %broadcast_in_dim3A_239 = arith.constant 1.000000e+00 : f32
    %broadcast_in_dim3A_240 = vector.broadcast %broadcast_in_dim3A_239 : f32 to vector<16xf32>
    %swap3A_241 = arith.constant 0 : index
    %swap3A_242 = tpu.vector_load %arg6[%swap3A_241] {strides = array<i32>} : memref<128xf32, #tpu.memory_space<vmem>>, vector<16xf32>,
    %swap3A_243 = vector.shape_cast %swap3A_242 : vector<16xf32> to vector<16xf32>
    %swap3A_244 = vector.shape_cast %broadcast_in_dim3A_240 : vector<16xf32> to vector<16xf32>
    tpu.vector_store %arg6[%swap3A_241], %swap3A_244 {strides = array<i32>} : memref<128xf32, #tpu.memory_space<vmem>>, vector<16xf32>,
    %broadcast_in_dim3A_245 = arith.constant 1.000000e+00 : f32
    %broadcast_in_dim3A_246 = vector.broadcast %broadcast_in_dim3A_245 : f32 to vector<16xf32>
    %swap3A_247 = arith.constant 16 : index
    %swap3A_248 = tpu.vector_load %arg6[%swap3A_247] {strides = array<i32>} : memref<128xf32, #tpu.memory_space<vmem>>, vector<16xf32>,
    %swap3A_249 = vector.shape_cast %swap3A_248 : vector<16xf32> to vector<16xf32>
    %swap3A_250 = vector.shape_cast %broadcast_in_dim3A_246 : vector<16xf32> to vector<16xf32>
    tpu.vector_store %arg6[%swap3A_247], %swap3A_250 {strides = array<i32>} : memref<128xf32, #tpu.memory_space<vmem>>, vector<16xf32>,
    %broadcast_in_dim3A_251 = arith.constant 1.000000e+00 : f32
    %broadcast_in_dim3A_252 = vector.broadcast %broadcast_in_dim3A_251 : f32 to vector<16xf32>
    %swap3A_253 = arith.constant 32 : index
    %swap3A_254 = tpu.vector_load %arg6[%swap3A_253] {strides = array<i32>} : memref<128xf32, #tpu.memory_space<vmem>>, vector<16xf32>,
    %swap3A_255 = vector.shape_cast %swap3A_254 : vector<16xf32> to vector<16xf32>
    %swap3A_256 = vector.shape_cast %broadcast_in_dim3A_252 : vector<16xf32> to vector<16xf32>
    tpu.vector_store %arg6[%swap3A_253], %swap3A_256 {strides = array<i32>} : memref<128xf32, #tpu.memory_space<vmem>>, vector<16xf32>,
    %broadcast_in_dim3A_257 = arith.constant 1.000000e+00 : f32
    %broadcast_in_dim3A_258 = vector.broadcast %broadcast_in_dim3A_257 : f32 to vector<16xf32>
    %swap3A_259 = arith.constant 48 : index
    %swap3A_260 = tpu.vector_load %arg6[%swap3A_259] {strides = array<i32>} : memref<128xf32, #tpu.memory_space<vmem>>, vector<16xf32>,
    %swap3A_261 = vector.shape_cast %swap3A_260 : vector<16xf32> to vector<16xf32>
    %swap3A_262 = vector.shape_cast %broadcast_in_dim3A_258 : vector<16xf32> to vector<16xf32>
    tpu.vector_store %arg6[%swap3A_259], %swap3A_262 {strides = array<i32>} : memref<128xf32, #tpu.memory_space<vmem>>, vector<16xf32>,
    %broadcast_in_dim3A_263 = arith.constant 1.000000e+00 : f32
    %broadcast_in_dim3A_264 = vector.broadcast %broadcast_in_dim3A_263 : f32 to vector<16xf32>
    %swap3A_265 = arith.constant 64 : index
    %swap3A_266 = tpu.vector_load %arg6[%swap3A_265] {strides = array<i32>} : memref<128xf32, #tpu.memory_space<vmem>>, vector<16xf32>,
    %swap3A_267 = vector.shape_cast %swap3A_266 : vector<16xf32> to vector<16xf32>
    %swap3A_268 = vector.shape_cast %broadcast_in_dim3A_264 : vector<16xf32> to vector<16xf32>
    tpu.vector_store %arg6[%swap3A_265], %swap3A_268 {strides = array<i32>} : memref<128xf32, #tpu.memory_space<vmem>>, vector<16xf32>,
    %broadcast_in_dim3A_269 = arith.constant 1.000000e+00 : f32
    %broadcast_in_dim3A_270 = vector.broadcast %broadcast_in_dim3A_269 : f32 to vector<16xf32>
    %swap3A_271 = arith.constant 80 : index
    %swap3A_272 = tpu.vector_load %arg6[%swap3A_271] {strides = array<i32>} : memref<128xf32, #tpu.memory_space<vmem>>, vector<16xf32>,
    %swap3A_273 = vector.shape_cast %swap3A_272 : vector<16xf32> to vector<16xf32>
    %swap3A_274 = vector.shape_cast %broadcast_in_dim3A_270 : vector<16xf32> to vector<16xf32>
    tpu.vector_store %arg6[%swap3A_271], %swap3A_274 {strides = array<i32>} : memref<128xf32, #tpu.memory_space<vmem>>, vector<16xf32>,
    %broadcast_in_dim3A_275 = arith.constant 1.000000e+00 : f32
    %broadcast_in_dim3A_276 = vector.broadcast %broadcast_in_dim3A_275 : f32 to vector<16xf32>
    %swap3A_277 = arith.constant 96 : index
    %swap3A_278 = tpu.vector_load %arg6[%swap3A_277] {strides = array<i32>} : memref<128xf32, #tpu.memory_space<vmem>>, vector<16xf32>,
    %swap3A_279 = vector.shape_cast %swap3A_278 : vector<16xf32> to vector<16xf32>
    %swap3A_280 = vector.shape_cast %broadcast_in_dim3A_276 : vector<16xf32> to vector<16xf32>
    tpu.vector_store %arg6[%swap3A_277], %swap3A_280 {strides = array<i32>} : memref<128xf32, #tpu.memory_space<vmem>>, vector<16xf32>,
    %broadcast_in_dim3A_281 = arith.constant 1.000000e+00 : f32
    %broadcast_in_dim3A_282 = vector.broadcast %broadcast_in_dim3A_281 : f32 to vector<16xf32>
    %swap3A_283 = arith.constant 112 : index
    %swap3A_284 = tpu.vector_load %arg6[%swap3A_283] {strides = array<i32>} : memref<128xf32, #tpu.memory_space<vmem>>, vector<16xf32>,
    %swap3A_285 = vector.shape_cast %swap3A_284 : vector<16xf32> to vector<16xf32>
    %swap3A_286 = vector.shape_cast %broadcast_in_dim3A_282 : vector<16xf32> to vector<16xf32>
    tpu.vector_store %arg6[%swap3A_283], %swap3A_286 {strides = array<i32>} : memref<128xf32, #tpu.memory_space<vmem>>, vector<16xf32>,
    %mul3A_287 = arith.constant 640 : i32
    %mul3A_288 = arith.muli %arg1, %mul3A_287 : i32
    "tpu.region"() ({
      %run_scoped3A = tpu.sem_alloc : memref<!tpu.dma_semaphore, #tpu.memory_space<semaphore_mem>>
      %dma_start3A = tpu.memref_slice %arg4[%mul3A_288] : memref<10240xf32, #tpu.memory_space<vmem_shared>> -> memref<640xf32, #tpu.memory_space<vmem_shared>>
      %dma_start3A_299 = tpu.memref_slice %arg4[%mul3A_288] : memref<10240xf32, #tpu.memory_space<vmem_shared>> -> memref<640xf32, #tpu.memory_space<vmem_shared>>
      tpu.enqueue_dma source(%arg7 : memref<640xf32, #tpu.memory_space<vmem>>) target(%dma_start3A_299 : memref<640xf32, #tpu.memory_space<vmem_shared>>) target_semaphore(%run_scoped3A : memref<!tpu.dma_semaphore, #tpu.memory_space<semaphore_mem>>)
      %dma_wait3A = tpu.memref_slice %arg4[%mul3A_288] : memref<10240xf32, #tpu.memory_space<vmem_shared>> -> memref<640xf32, #tpu.memory_space<vmem_shared>>
      %dma_wait3A_300 = tpu.memref_slice %arg4[%mul3A_288] : memref<10240xf32, #tpu.memory_space<vmem_shared>> -> memref<640xf32, #tpu.memory_space<vmem_shared>>
      tpu.wait_dma2 semaphore(%run_scoped3A : memref<!tpu.dma_semaphore, #tpu.memory_space<semaphore_mem>>) src(%arg7 : memref<640xf32, #tpu.memory_space<vmem>>) dst(%dma_wait3A_300 : memref<640xf32, #tpu.memory_space<vmem_shared>>)
      tpu.yield
    }) : () -> ()
    %barrier3A = arith.constant 0 : index
    tpu.barrier barrier_id(%barrier3A)
    %scan3A = arith.constant 0 : i32
    %scan3A_289 = arith.constant 0 : i32
    %scan3A_290 = arith.constant 80 : i32
    %scan3A_291 = arith.addi %scan3A_289, %scan3A_290 : i32
    %scan3A_292 = arith.constant 1 : i32
    scf.for %scan3A_299 = %scan3A_289 to %scan3A_291 step %scan3A_292  : i32 {
      "tpu.region"() ({
        %run_scoped3A = tpu.sem_alloc : memref<!tpu.dma_semaphore, #tpu.memory_space<semaphore_mem>>
        %dma_start3A = arith.constant 0 : i32
        %dma_start3A_300 = arith.constant 0 : i32
        %dma_start3A_301 = tpu.memref_slice %arg2[%add3A, %dma_start3A, %dma_start3A_300] : memref<32x80x128xi32, #tpu.memory_space<hbm>> -> memref<1x80x128xi32, #tpu.memory_space<hbm>>
        %dma_start3A_302 = tpu.memref_squeeze %dma_start3A_301 : memref<1x80x128xi32, #tpu.memory_space<hbm>> -> memref<80x128xi32, #tpu.memory_space<hbm>>
        %dma_start3A_303 = arith.constant 0 : i32
        %dma_start3A_304 = tpu.memref_slice %dma_start3A_302[%scan3A_299, %dma_start3A_303] : memref<80x128xi32, #tpu.memory_space<hbm>> -> memref<1x128xi32, #tpu.memory_space<hbm>>
        %dma_start3A_305 = tpu.memref_squeeze %dma_start3A_304 : memref<1x128xi32, #tpu.memory_space<hbm>> -> memref<128xi32, #tpu.memory_space<hbm>>
        %dma_start3A_306 = arith.constant 0 : i32
        %dma_start3A_307 = arith.constant 0 : i32
        %dma_start3A_308 = tpu.memref_slice %arg2[%add3A, %dma_start3A_306, %dma_start3A_307] : memref<32x80x128xi32, #tpu.memory_space<hbm>> -> memref<1x80x128xi32, #tpu.memory_space<hbm>>
        %dma_start3A_309 = tpu.memref_squeeze %dma_start3A_308 : memref<1x80x128xi32, #tpu.memory_space<hbm>> -> memref<80x128xi32, #tpu.memory_space<hbm>>
        %dma_start3A_310 = arith.constant 0 : i32
        %dma_start3A_311 = tpu.memref_slice %dma_start3A_309[%scan3A_299, %dma_start3A_310] : memref<80x128xi32, #tpu.memory_space<hbm>> -> memref<1x128xi32, #tpu.memory_space<hbm>>
        %dma_start3A_312 = tpu.memref_squeeze %dma_start3A_311 : memref<1x128xi32, #tpu.memory_space<hbm>> -> memref<128xi32, #tpu.memory_space<hbm>>
        tpu.enqueue_dma source(%dma_start3A_312 : memref<128xi32, #tpu.memory_space<hbm>>) target(%arg5 : memref<128xi32, #tpu.memory_space<vmem>>) target_semaphore(%run_scoped3A : memref<!tpu.dma_semaphore, #tpu.memory_space<semaphore_mem>>)
        %dma_wait3A = arith.constant 0 : i32
        %dma_wait3A_313 = arith.constant 0 : i32
        %dma_wait3A_314 = tpu.memref_slice %arg2[%add3A, %dma_wait3A, %dma_wait3A_313] : memref<32x80x128xi32, #tpu.memory_space<hbm>> -> memref<1x80x128xi32, #tpu.memory_space<hbm>>
        %dma_wait3A_315 = tpu.memref_squeeze %dma_wait3A_314 : memref<1x80x128xi32, #tpu.memory_space<hbm>> -> memref<80x128xi32, #tpu.memory_space<hbm>>
        %dma_wait3A_316 = arith.constant 0 : i32
        %dma_wait3A_317 = tpu.memref_slice %dma_wait3A_315[%scan3A_299, %dma_wait3A_316] : memref<80x128xi32, #tpu.memory_space<hbm>> -> memref<1x128xi32, #tpu.memory_space<hbm>>
        %dma_wait3A_318 = tpu.memref_squeeze %dma_wait3A_317 : memref<1x128xi32, #tpu.memory_space<hbm>> -> memref<128xi32, #tpu.memory_space<hbm>>
        %dma_wait3A_319 = arith.constant 0 : i32
        %dma_wait3A_320 = arith.constant 0 : i32
        %dma_wait3A_321 = tpu.memref_slice %arg2[%add3A, %dma_wait3A_319, %dma_wait3A_320] : memref<32x80x128xi32, #tpu.memory_space<hbm>> -> memref<1x80x128xi32, #tpu.memory_space<hbm>>
        %dma_wait3A_322 = tpu.memref_squeeze %dma_wait3A_321 : memref<1x80x128xi32, #tpu.memory_space<hbm>> -> memref<80x128xi32, #tpu.memory_space<hbm>>
        %dma_wait3A_323 = arith.constant 0 : i32
        %dma_wait3A_324 = tpu.memref_slice %dma_wait3A_322[%scan3A_299, %dma_wait3A_323] : memref<80x128xi32, #tpu.memory_space<hbm>> -> memref<1x128xi32, #tpu.memory_space<hbm>>
        %dma_wait3A_325 = tpu.memref_squeeze %dma_wait3A_324 : memref<1x128xi32, #tpu.memory_space<hbm>> -> memref<128xi32, #tpu.memory_space<hbm>>
        tpu.wait_dma2 semaphore(%run_scoped3A : memref<!tpu.dma_semaphore, #tpu.memory_space<semaphore_mem>>) src(%dma_wait3A_325 : memref<128xi32, #tpu.memory_space<hbm>>) dst(%arg5 : memref<128xi32, #tpu.memory_space<vmem>>)
        tpu.yield
      }) : () -> ()
      "tpu.region"() ({
        %run_scoped3A = tpu.sem_alloc : memref<!tpu.dma_semaphore, #tpu.memory_space<semaphore_mem>>
        %dma_start3A = arith.constant 0 : i32
        %dma_start3A_300 = tpu.memref_slice %arg4[%dma_start3A] : memref<10240xf32, #tpu.memory_space<vmem_shared>> -> memref<10240xf32, #tpu.memory_space<vmem_shared>>
        tpu.enqueue_indirect_dma source(%arg6 : memref<128xf32, #tpu.memory_space<vmem>>) target(%dma_start3A_300 : memref<10240xf32, #tpu.memory_space<vmem_shared>>) offsets(%arg5 : memref<128xi32, #tpu.memory_space<vmem>>) semaphore(%run_scoped3A : memref<!tpu.dma_semaphore, #tpu.memory_space<semaphore_mem>>) {add = true}
        %dma_wait3A = arith.constant 0 : i32
        %dma_wait3A_301 = tpu.memref_slice %arg4[%dma_wait3A] : memref<10240xf32, #tpu.memory_space<vmem_shared>> -> memref<10240xf32, #tpu.memory_space<vmem_shared>>
        tpu.wait_indirect_dma semaphore(%run_scoped3A : memref<!tpu.dma_semaphore, #tpu.memory_space<semaphore_mem>>) src(%arg6 : memref<128xf32, #tpu.memory_space<vmem>>) dst(%dma_wait3A_301 : memref<10240xf32, #tpu.memory_space<vmem_shared>>)
        tpu.yield
      }) : () -> ()
    }
    %scan3A_293 = arith.constant 80 : i32
    %barrier3A_294 = arith.constant 0 : index
    tpu.barrier barrier_id(%barrier3A_294)
    %mul3A_295 = arith.constant 640 : i32
    %mul3A_296 = arith.muli %arg1, %mul3A_295 : i32
    %mul3A_297 = arith.constant 640 : i32
    %mul3A_298 = arith.muli %arg1, %mul3A_297 : i32
    "tpu.region"() ({
      %run_scoped3A = tpu.sem_alloc : memref<!tpu.dma_semaphore, #tpu.memory_space<semaphore_mem>>
      %dma_start3A = arith.constant 0 : i32
      %dma_start3A_299 = tpu.memref_slice %arg3[%arg0, %dma_start3A] : memref<2x10240xf32, #tpu.memory_space<hbm>> -> memref<1x10240xf32, #tpu.memory_space<hbm>>
      %dma_start3A_300 = tpu.memref_squeeze %dma_start3A_299 : memref<1x10240xf32, #tpu.memory_space<hbm>> -> memref<10240xf32, #tpu.memory_space<hbm>>
      %dma_start3A_301 = tpu.memref_slice %dma_start3A_300[%mul3A_298] : memref<10240xf32, #tpu.memory_space<hbm>> -> memref<640xf32, #tpu.memory_space<hbm>>
      %dma_start3A_302 = tpu.memref_slice %arg4[%mul3A_296] : memref<10240xf32, #tpu.memory_space<vmem_shared>> -> memref<640xf32, #tpu.memory_space<vmem_shared>>
      tpu.enqueue_dma source(%dma_start3A_302 : memref<640xf32, #tpu.memory_space<vmem_shared>>) target(%dma_start3A_301 : memref<640xf32, #tpu.memory_space<hbm>>) target_semaphore(%run_scoped3A : memref<!tpu.dma_semaphore, #tpu.memory_space<semaphore_mem>>)
      %dma_wait3A = arith.constant 0 : i32
      %dma_wait3A_303 = tpu.memref_slice %arg3[%arg0, %dma_wait3A] : memref<2x10240xf32, #tpu.memory_space<hbm>> -> memref<1x10240xf32, #tpu.memory_space<hbm>>
      %dma_wait3A_304 = tpu.memref_squeeze %dma_wait3A_303 : memref<1x10240xf32, #tpu.memory_space<hbm>> -> memref<10240xf32, #tpu.memory_space<hbm>>
      %dma_wait3A_305 = tpu.memref_slice %dma_wait3A_304[%mul3A_298] : memref<10240xf32, #tpu.memory_space<hbm>> -> memref<640xf32, #tpu.memory_space<hbm>>
      %dma_wait3A_306 = tpu.memref_slice %arg4[%mul3A_296] : memref<10240xf32, #tpu.memory_space<vmem_shared>> -> memref<640xf32, #tpu.memory_space<vmem_shared>>
      tpu.wait_dma2 semaphore(%run_scoped3A : memref<!tpu.dma_semaphore, #tpu.memory_space<semaphore_mem>>) src(%dma_wait3A_306 : memref<640xf32, #tpu.memory_space<vmem_shared>>) dst(%dma_wait3A_305 : memref<640xf32, #tpu.memory_space<hbm>>)
      tpu.yield
    }) : () -> ()
    return
  }
}

#map = affine_map<(d0, d1) -> (0, 0, 0)>
#map1 = affine_map<(d0, d1) -> (0, 0)>
module attributes {stable_mosaic.version = 14 : i64} {
  func.func @_agg_body(%arg0: i32, %arg1: i32, %arg2: memref<32x80x128xi32, #tpu.memory_space<hbm>>, %arg3: memref<32x80x128xi32, #tpu.memory_space<hbm>>, %arg4: memref<10240x128xf32, #tpu.memory_space<hbm>>, %arg5: memref<2x10240x128xf32, #tpu.memory_space<hbm>>, %arg6: memref<10240x128xf32, #tpu.memory_space<vmem_shared>>, %arg7: memref<80x128xi32, #tpu.memory_space<vmem>>, %arg8: memref<128xi32, #tpu.memory_space<vmem>>, %arg9: memref<128xi32, #tpu.memory_space<vmem>>, %arg10: memref<128x128xf32, #tpu.memory_space<vmem>>, %arg11: memref<128x128xf32, #tpu.memory_space<vmem>>, %arg12: memref<!tpu.dma_semaphore, #tpu.memory_space<semaphore_mem>>, %arg13: memref<!tpu.dma_semaphore, #tpu.memory_space<semaphore_mem>>, %arg14: memref<!tpu.dma_semaphore, #tpu.memory_space<semaphore_mem>>, %arg15: memref<!tpu.dma_semaphore, #tpu.memory_space<semaphore_mem>>) attributes {dimension_semantics = [#tpu.dimension_semantics<core_parallel>, #tpu.dimension_semantics<subcore_parallel>], iteration_bounds = array<i64: 2, 16>, scalar_prefetch = 0 : i64, scratch_operands = 10 : i64, tpu.core_type = #tpu.core_type<sc_vector_subcore>, window_params = [{transform_indices = #map}, {transform_indices = #map}, {transform_indices = #map1}, {transform_indices = #map}]} {
    %mul3A = arith.constant 16 : i32
    %mul3A_0 = arith.muli %arg0, %mul3A : i32
    %add3A = arith.addi %mul3A_0, %arg1 : i32
    "tpu.region"() ({
      %run_scoped3A = tpu.sem_alloc : memref<!tpu.dma_semaphore, #tpu.memory_space<semaphore_mem>>
      %dma_start3A_51 = arith.constant 0 : i32
      %dma_start3A_52 = arith.constant 0 : i32
      %dma_start3A_53 = tpu.memref_slice %arg2[%add3A, %dma_start3A_51, %dma_start3A_52] : memref<32x80x128xi32, #tpu.memory_space<hbm>> -> memref<1x80x128xi32, #tpu.memory_space<hbm>>
      %dma_start3A_54 = tpu.memref_squeeze %dma_start3A_53 : memref<1x80x128xi32, #tpu.memory_space<hbm>> -> memref<80x128xi32, #tpu.memory_space<hbm>>
      %dma_start3A_55 = arith.constant 0 : i32
      %dma_start3A_56 = arith.constant 0 : i32
      %dma_start3A_57 = tpu.memref_slice %arg2[%add3A, %dma_start3A_55, %dma_start3A_56] : memref<32x80x128xi32, #tpu.memory_space<hbm>> -> memref<1x80x128xi32, #tpu.memory_space<hbm>>
      %dma_start3A_58 = tpu.memref_squeeze %dma_start3A_57 : memref<1x80x128xi32, #tpu.memory_space<hbm>> -> memref<80x128xi32, #tpu.memory_space<hbm>>
      tpu.enqueue_dma source(%dma_start3A_58 : memref<80x128xi32, #tpu.memory_space<hbm>>) target(%arg7 : memref<80x128xi32, #tpu.memory_space<vmem>>) target_semaphore(%run_scoped3A : memref<!tpu.dma_semaphore, #tpu.memory_space<semaphore_mem>>)
      %dma_wait3A = arith.constant 0 : i32
      %dma_wait3A_59 = arith.constant 0 : i32
      %dma_wait3A_60 = tpu.memref_slice %arg2[%add3A, %dma_wait3A, %dma_wait3A_59] : memref<32x80x128xi32, #tpu.memory_space<hbm>> -> memref<1x80x128xi32, #tpu.memory_space<hbm>>
      %dma_wait3A_61 = tpu.memref_squeeze %dma_wait3A_60 : memref<1x80x128xi32, #tpu.memory_space<hbm>> -> memref<80x128xi32, #tpu.memory_space<hbm>>
      %dma_wait3A_62 = arith.constant 0 : i32
      %dma_wait3A_63 = arith.constant 0 : i32
      %dma_wait3A_64 = tpu.memref_slice %arg2[%add3A, %dma_wait3A_62, %dma_wait3A_63] : memref<32x80x128xi32, #tpu.memory_space<hbm>> -> memref<1x80x128xi32, #tpu.memory_space<hbm>>
      %dma_wait3A_65 = tpu.memref_squeeze %dma_wait3A_64 : memref<1x80x128xi32, #tpu.memory_space<hbm>> -> memref<80x128xi32, #tpu.memory_space<hbm>>
      tpu.wait_dma2 semaphore(%run_scoped3A : memref<!tpu.dma_semaphore, #tpu.memory_space<semaphore_mem>>) src(%dma_wait3A_65 : memref<80x128xi32, #tpu.memory_space<hbm>>) dst(%arg7 : memref<80x128xi32, #tpu.memory_space<vmem>>)
      tpu.yield
    }) : () -> ()
    %mul3A_1 = arith.constant 640 : i32
    %mul3A_2 = arith.muli %arg1, %mul3A_1 : i32
    %mul3A_3 = arith.constant 640 : i32
    %mul3A_4 = arith.muli %arg1, %mul3A_3 : i32
    "tpu.region"() ({
      %run_scoped3A = tpu.sem_alloc : memref<!tpu.dma_semaphore, #tpu.memory_space<semaphore_mem>>
      %dma_start3A_51 = arith.constant 0 : i32
      %dma_start3A_52 = tpu.memref_slice %arg6[%mul3A_4, %dma_start3A_51] : memref<10240x128xf32, #tpu.memory_space<vmem_shared>> -> memref<640x128xf32, #tpu.memory_space<vmem_shared>>
      %dma_start3A_53 = arith.constant 0 : i32
      %dma_start3A_54 = tpu.memref_slice %arg4[%mul3A_2, %dma_start3A_53] : memref<10240x128xf32, #tpu.memory_space<hbm>> -> memref<640x128xf32, #tpu.memory_space<hbm>>
      tpu.enqueue_dma source(%dma_start3A_54 : memref<640x128xf32, #tpu.memory_space<hbm>>) target(%dma_start3A_52 : memref<640x128xf32, #tpu.memory_space<vmem_shared>>) target_semaphore(%run_scoped3A : memref<!tpu.dma_semaphore, #tpu.memory_space<semaphore_mem>>)
      %dma_wait3A = arith.constant 0 : i32
      %dma_wait3A_55 = tpu.memref_slice %arg6[%mul3A_4, %dma_wait3A] : memref<10240x128xf32, #tpu.memory_space<vmem_shared>> -> memref<640x128xf32, #tpu.memory_space<vmem_shared>>
      %dma_wait3A_56 = arith.constant 0 : i32
      %dma_wait3A_57 = tpu.memref_slice %arg4[%mul3A_2, %dma_wait3A_56] : memref<10240x128xf32, #tpu.memory_space<hbm>> -> memref<640x128xf32, #tpu.memory_space<hbm>>
      tpu.wait_dma2 semaphore(%run_scoped3A : memref<!tpu.dma_semaphore, #tpu.memory_space<semaphore_mem>>) src(%dma_wait3A_57 : memref<640x128xf32, #tpu.memory_space<hbm>>) dst(%dma_wait3A_55 : memref<640x128xf32, #tpu.memory_space<vmem_shared>>)
      tpu.yield
    }) : () -> ()
    %barrier3A = arith.constant 0 : index
    tpu.barrier barrier_id(%barrier3A)
    %dma_start3A = arith.constant 0 : i32
    %dma_start3A_5 = arith.constant 0 : i32
    %dma_start3A_6 = tpu.memref_slice %arg7[%dma_start3A, %dma_start3A_5] : memref<80x128xi32, #tpu.memory_space<vmem>> -> memref<1x128xi32, #tpu.memory_space<vmem>>
    %dma_start3A_7 = tpu.memref_squeeze %dma_start3A_6 : memref<1x128xi32, #tpu.memory_space<vmem>> -> memref<128xi32, #tpu.memory_space<vmem>>
    %dma_start3A_8 = arith.constant 0 : i32
    %dma_start3A_9 = arith.constant 0 : i32
    %dma_start3A_10 = tpu.memref_slice %arg4[%dma_start3A_8, %dma_start3A_9] : memref<10240x128xf32, #tpu.memory_space<hbm>> -> memref<10240x128xf32, #tpu.memory_space<hbm>>
    tpu.enqueue_indirect_dma source(%dma_start3A_10 : memref<10240x128xf32, #tpu.memory_space<hbm>>) target(%arg10 : memref<128x128xf32, #tpu.memory_space<vmem>>) offsets(%dma_start3A_7 : memref<128xi32, #tpu.memory_space<vmem>>) semaphore(%arg12 : memref<!tpu.dma_semaphore, #tpu.memory_space<semaphore_mem>>)
    %dma_start3A_11 = arith.constant 0 : i32
    %dma_start3A_12 = arith.constant 0 : i32
    %dma_start3A_13 = arith.constant 0 : i32
    %dma_start3A_14 = tpu.memref_slice %arg3[%add3A, %dma_start3A_12, %dma_start3A_13] : memref<32x80x128xi32, #tpu.memory_space<hbm>> -> memref<1x80x128xi32, #tpu.memory_space<hbm>>
    %dma_start3A_15 = tpu.memref_squeeze %dma_start3A_14 : memref<1x80x128xi32, #tpu.memory_space<hbm>> -> memref<80x128xi32, #tpu.memory_space<hbm>>
    %dma_start3A_16 = arith.constant 0 : i32
    %dma_start3A_17 = tpu.memref_slice %dma_start3A_15[%dma_start3A_11, %dma_start3A_16] : memref<80x128xi32, #tpu.memory_space<hbm>> -> memref<1x128xi32, #tpu.memory_space<hbm>>
    %dma_start3A_18 = tpu.memref_squeeze %dma_start3A_17 : memref<1x128xi32, #tpu.memory_space<hbm>> -> memref<128xi32, #tpu.memory_space<hbm>>
    %dma_start3A_19 = arith.constant 0 : i32
    %dma_start3A_20 = arith.constant 0 : i32
    %dma_start3A_21 = tpu.memref_slice %arg3[%add3A, %dma_start3A_19, %dma_start3A_20] : memref<32x80x128xi32, #tpu.memory_space<hbm>> -> memref<1x80x128xi32, #tpu.memory_space<hbm>>
    %dma_start3A_22 = tpu.memref_squeeze %dma_start3A_21 : memref<1x80x128xi32, #tpu.memory_space<hbm>> -> memref<80x128xi32, #tpu.memory_space<hbm>>
    %dma_start3A_23 = arith.constant 0 : i32
    %dma_start3A_24 = tpu.memref_slice %dma_start3A_22[%dma_start3A_11, %dma_start3A_23] : memref<80x128xi32, #tpu.memory_space<hbm>> -> memref<1x128xi32, #tpu.memory_space<hbm>>
    %dma_start3A_25 = tpu.memref_squeeze %dma_start3A_24 : memref<1x128xi32, #tpu.memory_space<hbm>> -> memref<128xi32, #tpu.memory_space<hbm>>
    tpu.enqueue_dma source(%dma_start3A_25 : memref<128xi32, #tpu.memory_space<hbm>>) target(%arg8 : memref<128xi32, #tpu.memory_space<vmem>>) target_semaphore(%arg14 : memref<!tpu.dma_semaphore, #tpu.memory_space<semaphore_mem>>)
    %dma_start3A_26 = arith.constant 1 : i32
    %dma_start3A_27 = arith.constant 0 : i32
    %dma_start3A_28 = arith.constant 0 : i32
    %dma_start3A_29 = tpu.memref_slice %arg3[%add3A, %dma_start3A_27, %dma_start3A_28] : memref<32x80x128xi32, #tpu.memory_space<hbm>> -> memref<1x80x128xi32, #tpu.memory_space<hbm>>
    %dma_start3A_30 = tpu.memref_squeeze %dma_start3A_29 : memref<1x80x128xi32, #tpu.memory_space<hbm>> -> memref<80x128xi32, #tpu.memory_space<hbm>>
    %dma_start3A_31 = arith.constant 0 : i32
    %dma_start3A_32 = tpu.memref_slice %dma_start3A_30[%dma_start3A_26, %dma_start3A_31] : memref<80x128xi32, #tpu.memory_space<hbm>> -> memref<1x128xi32, #tpu.memory_space<hbm>>
    %dma_start3A_33 = tpu.memref_squeeze %dma_start3A_32 : memref<1x128xi32, #tpu.memory_space<hbm>> -> memref<128xi32, #tpu.memory_space<hbm>>
    %dma_start3A_34 = arith.constant 0 : i32
    %dma_start3A_35 = arith.constant 0 : i32
    %dma_start3A_36 = tpu.memref_slice %arg3[%add3A, %dma_start3A_34, %dma_start3A_35] : memref<32x80x128xi32, #tpu.memory_space<hbm>> -> memref<1x80x128xi32, #tpu.memory_space<hbm>>
    %dma_start3A_37 = tpu.memref_squeeze %dma_start3A_36 : memref<1x80x128xi32, #tpu.memory_space<hbm>> -> memref<80x128xi32, #tpu.memory_space<hbm>>
    %dma_start3A_38 = arith.constant 0 : i32
    %dma_start3A_39 = tpu.memref_slice %dma_start3A_37[%dma_start3A_26, %dma_start3A_38] : memref<80x128xi32, #tpu.memory_space<hbm>> -> memref<1x128xi32, #tpu.memory_space<hbm>>
    %dma_start3A_40 = tpu.memref_squeeze %dma_start3A_39 : memref<1x128xi32, #tpu.memory_space<hbm>> -> memref<128xi32, #tpu.memory_space<hbm>>
    tpu.enqueue_dma source(%dma_start3A_40 : memref<128xi32, #tpu.memory_space<hbm>>) target(%arg9 : memref<128xi32, #tpu.memory_space<vmem>>) target_semaphore(%arg15 : memref<!tpu.dma_semaphore, #tpu.memory_space<semaphore_mem>>)
    %scan3A = arith.constant 0 : i32
    %scan3A_41 = arith.constant 0 : i32
    %scan3A_42 = arith.constant 40 : i32
    %scan3A_43 = arith.addi %scan3A_41, %scan3A_42 : i32
    %scan3A_44 = arith.constant 1 : i32
    scf.for %scan3A_51 = %scan3A_41 to %scan3A_43 step %scan3A_44  : i32 {
      %mul3A_52 = arith.constant 2 : i32
      %mul3A_53 = arith.muli %mul3A_52, %scan3A_51 : i32
      %add3A_54 = arith.constant 1 : i32
      %add3A_55 = arith.addi %mul3A_53, %add3A_54 : i32
      %dma_start3A_56 = arith.constant 0 : i32
      %dma_start3A_57 = tpu.memref_slice %arg7[%add3A_55, %dma_start3A_56] : memref<80x128xi32, #tpu.memory_space<vmem>> -> memref<1x128xi32, #tpu.memory_space<vmem>>
      %dma_start3A_58 = tpu.memref_squeeze %dma_start3A_57 : memref<1x128xi32, #tpu.memory_space<vmem>> -> memref<128xi32, #tpu.memory_space<vmem>>
      %dma_start3A_59 = arith.constant 0 : i32
      %dma_start3A_60 = arith.constant 0 : i32
      %dma_start3A_61 = tpu.memref_slice %arg4[%dma_start3A_59, %dma_start3A_60] : memref<10240x128xf32, #tpu.memory_space<hbm>> -> memref<10240x128xf32, #tpu.memory_space<hbm>>
      tpu.enqueue_indirect_dma source(%dma_start3A_61 : memref<10240x128xf32, #tpu.memory_space<hbm>>) target(%arg11 : memref<128x128xf32, #tpu.memory_space<vmem>>) offsets(%dma_start3A_58 : memref<128xi32, #tpu.memory_space<vmem>>) semaphore(%arg13 : memref<!tpu.dma_semaphore, #tpu.memory_space<semaphore_mem>>)
      %dma_wait3A = arith.constant 0 : i32
      %dma_wait3A_62 = arith.constant 0 : i32
      %dma_wait3A_63 = tpu.memref_slice %arg4[%dma_wait3A, %dma_wait3A_62] : memref<10240x128xf32, #tpu.memory_space<hbm>> -> memref<128x128xf32, #tpu.memory_space<hbm>>
      %dma_wait3A_64 = arith.constant 0 : i32
      %dma_wait3A_65 = arith.constant 0 : i32
      %dma_wait3A_66 = tpu.memref_slice %arg4[%dma_wait3A_64, %dma_wait3A_65] : memref<10240x128xf32, #tpu.memory_space<hbm>> -> memref<128x128xf32, #tpu.memory_space<hbm>>
      tpu.wait_dma2 semaphore(%arg12 : memref<!tpu.dma_semaphore, #tpu.memory_space<semaphore_mem>>) src(%dma_wait3A_66 : memref<128x128xf32, #tpu.memory_space<hbm>>) dst(%arg10 : memref<128x128xf32, #tpu.memory_space<vmem>>)
      %dma_wait3A_67 = arith.constant 0 : i32
      %dma_wait3A_68 = arith.constant 0 : i32
      %dma_wait3A_69 = arith.constant 0 : i32
      %dma_wait3A_70 = arith.constant 0 : i32
      %dma_wait3A_71 = tpu.memref_slice %arg3[%dma_wait3A_67, %dma_wait3A_69, %dma_wait3A_70] : memref<32x80x128xi32, #tpu.memory_space<hbm>> -> memref<1x80x128xi32, #tpu.memory_space<hbm>>
      %dma_wait3A_72 = tpu.memref_squeeze %dma_wait3A_71 : memref<1x80x128xi32, #tpu.memory_space<hbm>> -> memref<80x128xi32, #tpu.memory_space<hbm>>
      %dma_wait3A_73 = arith.constant 0 : i32
      %dma_wait3A_74 = tpu.memref_slice %dma_wait3A_72[%dma_wait3A_68, %dma_wait3A_73] : memref<80x128xi32, #tpu.memory_space<hbm>> -> memref<1x128xi32, #tpu.memory_space<hbm>>
      %dma_wait3A_75 = tpu.memref_squeeze %dma_wait3A_74 : memref<1x128xi32, #tpu.memory_space<hbm>> -> memref<128xi32, #tpu.memory_space<hbm>>
      %dma_wait3A_76 = arith.constant 0 : i32
      %dma_wait3A_77 = arith.constant 0 : i32
      %dma_wait3A_78 = tpu.memref_slice %arg3[%dma_wait3A_67, %dma_wait3A_76, %dma_wait3A_77] : memref<32x80x128xi32, #tpu.memory_space<hbm>> -> memref<1x80x128xi32, #tpu.memory_space<hbm>>
      %dma_wait3A_79 = tpu.memref_squeeze %dma_wait3A_78 : memref<1x80x128xi32, #tpu.memory_space<hbm>> -> memref<80x128xi32, #tpu.memory_space<hbm>>
      %dma_wait3A_80 = arith.constant 0 : i32
      %dma_wait3A_81 = tpu.memref_slice %dma_wait3A_79[%dma_wait3A_68, %dma_wait3A_80] : memref<80x128xi32, #tpu.memory_space<hbm>> -> memref<1x128xi32, #tpu.memory_space<hbm>>
      %dma_wait3A_82 = tpu.memref_squeeze %dma_wait3A_81 : memref<1x128xi32, #tpu.memory_space<hbm>> -> memref<128xi32, #tpu.memory_space<hbm>>
      tpu.wait_dma2 semaphore(%arg14 : memref<!tpu.dma_semaphore, #tpu.memory_space<semaphore_mem>>) src(%dma_wait3A_82 : memref<128xi32, #tpu.memory_space<hbm>>) dst(%arg8 : memref<128xi32, #tpu.memory_space<vmem>>)
      "tpu.region"() ({
        %run_scoped3A = tpu.sem_alloc : memref<!tpu.dma_semaphore, #tpu.memory_space<semaphore_mem>>
        %dma_start3A_116 = arith.constant 0 : i32
        %dma_start3A_117 = arith.constant 0 : i32
        %dma_start3A_118 = tpu.memref_slice %arg6[%dma_start3A_116, %dma_start3A_117] : memref<10240x128xf32, #tpu.memory_space<vmem_shared>> -> memref<10240x128xf32, #tpu.memory_space<vmem_shared>>
        tpu.enqueue_indirect_dma source(%arg10 : memref<128x128xf32, #tpu.memory_space<vmem>>) target(%dma_start3A_118 : memref<10240x128xf32, #tpu.memory_space<vmem_shared>>) offsets(%arg8 : memref<128xi32, #tpu.memory_space<vmem>>) semaphore(%run_scoped3A : memref<!tpu.dma_semaphore, #tpu.memory_space<semaphore_mem>>) {add = true}
        %dma_wait3A_119 = arith.constant 0 : i32
        %dma_wait3A_120 = arith.constant 0 : i32
        %dma_wait3A_121 = tpu.memref_slice %arg6[%dma_wait3A_119, %dma_wait3A_120] : memref<10240x128xf32, #tpu.memory_space<vmem_shared>> -> memref<10240x128xf32, #tpu.memory_space<vmem_shared>>
        tpu.wait_indirect_dma semaphore(%run_scoped3A : memref<!tpu.dma_semaphore, #tpu.memory_space<semaphore_mem>>) src(%arg10 : memref<128x128xf32, #tpu.memory_space<vmem>>) dst(%dma_wait3A_121 : memref<10240x128xf32, #tpu.memory_space<vmem_shared>>)
        tpu.yield
      }) : () -> ()
      %add3A_83 = arith.constant 2 : i32
      %add3A_84 = arith.addi %mul3A_53, %add3A_83 : i32
      %lt3A = arith.constant 80 : i32
      %lt3A_85 = arith.cmpi slt, %add3A_84, %lt3A : i32
      %convert_element_type3A = arith.extui %lt3A_85 : i1 to i32
      %cond3A = arith.constant 0 : i32
      %cond3A_86 = arith.cmpi ne, %convert_element_type3A, %cond3A : i32
      scf.if %cond3A_86 {
        %add3A_116 = arith.constant 2 : i32
        %add3A_117 = arith.addi %mul3A_53, %add3A_116 : i32
        %dma_start3A_118 = arith.constant 0 : i32
        %dma_start3A_119 = tpu.memref_slice %arg7[%add3A_117, %dma_start3A_118] : memref<80x128xi32, #tpu.memory_space<vmem>> -> memref<1x128xi32, #tpu.memory_space<vmem>>
        %dma_start3A_120 = tpu.memref_squeeze %dma_start3A_119 : memref<1x128xi32, #tpu.memory_space<vmem>> -> memref<128xi32, #tpu.memory_space<vmem>>
        %dma_start3A_121 = arith.constant 0 : i32
        %dma_start3A_122 = arith.constant 0 : i32
        %dma_start3A_123 = tpu.memref_slice %arg4[%dma_start3A_121, %dma_start3A_122] : memref<10240x128xf32, #tpu.memory_space<hbm>> -> memref<10240x128xf32, #tpu.memory_space<hbm>>
        tpu.enqueue_indirect_dma source(%dma_start3A_123 : memref<10240x128xf32, #tpu.memory_space<hbm>>) target(%arg10 : memref<128x128xf32, #tpu.memory_space<vmem>>) offsets(%dma_start3A_120 : memref<128xi32, #tpu.memory_space<vmem>>) semaphore(%arg12 : memref<!tpu.dma_semaphore, #tpu.memory_space<semaphore_mem>>)
        %add3A_124 = arith.constant 2 : i32
        %add3A_125 = arith.addi %mul3A_53, %add3A_124 : i32
        %dma_start3A_126 = arith.constant 0 : i32
        %dma_start3A_127 = arith.constant 0 : i32
        %dma_start3A_128 = tpu.memref_slice %arg3[%add3A, %dma_start3A_126, %dma_start3A_127] : memref<32x80x128xi32, #tpu.memory_space<hbm>> -> memref<1x80x128xi32, #tpu.memory_space<hbm>>
        %dma_start3A_129 = tpu.memref_squeeze %dma_start3A_128 : memref<1x80x128xi32, #tpu.memory_space<hbm>> -> memref<80x128xi32, #tpu.memory_space<hbm>>
        %dma_start3A_130 = arith.constant 0 : i32
        %dma_start3A_131 = tpu.memref_slice %dma_start3A_129[%add3A_125, %dma_start3A_130] : memref<80x128xi32, #tpu.memory_space<hbm>> -> memref<1x128xi32, #tpu.memory_space<hbm>>
        %dma_start3A_132 = tpu.memref_squeeze %dma_start3A_131 : memref<1x128xi32, #tpu.memory_space<hbm>> -> memref<128xi32, #tpu.memory_space<hbm>>
        %dma_start3A_133 = arith.constant 0 : i32
        %dma_start3A_134 = arith.constant 0 : i32
        %dma_start3A_135 = tpu.memref_slice %arg3[%add3A, %dma_start3A_133, %dma_start3A_134] : memref<32x80x128xi32, #tpu.memory_space<hbm>> -> memref<1x80x128xi32, #tpu.memory_space<hbm>>
        %dma_start3A_136 = tpu.memref_squeeze %dma_start3A_135 : memref<1x80x128xi32, #tpu.memory_space<hbm>> -> memref<80x128xi32, #tpu.memory_space<hbm>>
        %dma_start3A_137 = arith.constant 0 : i32
        %dma_start3A_138 = tpu.memref_slice %dma_start3A_136[%add3A_125, %dma_start3A_137] : memref<80x128xi32, #tpu.memory_space<hbm>> -> memref<1x128xi32, #tpu.memory_space<hbm>>
        %dma_start3A_139 = tpu.memref_squeeze %dma_start3A_138 : memref<1x128xi32, #tpu.memory_space<hbm>> -> memref<128xi32, #tpu.memory_space<hbm>>
        tpu.enqueue_dma source(%dma_start3A_139 : memref<128xi32, #tpu.memory_space<hbm>>) target(%arg8 : memref<128xi32, #tpu.memory_space<vmem>>) target_semaphore(%arg14 : memref<!tpu.dma_semaphore, #tpu.memory_space<semaphore_mem>>)
      } else {
      }
      %dma_wait3A_87 = arith.constant 0 : i32
      %dma_wait3A_88 = arith.constant 0 : i32
      %dma_wait3A_89 = tpu.memref_slice %arg4[%dma_wait3A_87, %dma_wait3A_88] : memref<10240x128xf32, #tpu.memory_space<hbm>> -> memref<128x128xf32, #tpu.memory_space<hbm>>
      %dma_wait3A_90 = arith.constant 0 : i32
      %dma_wait3A_91 = arith.constant 0 : i32
      %dma_wait3A_92 = tpu.memref_slice %arg4[%dma_wait3A_90, %dma_wait3A_91] : memref<10240x128xf32, #tpu.memory_space<hbm>> -> memref<128x128xf32, #tpu.memory_space<hbm>>
      tpu.wait_dma2 semaphore(%arg13 : memref<!tpu.dma_semaphore, #tpu.memory_space<semaphore_mem>>) src(%dma_wait3A_92 : memref<128x128xf32, #tpu.memory_space<hbm>>) dst(%arg11 : memref<128x128xf32, #tpu.memory_space<vmem>>)
      %dma_wait3A_93 = arith.constant 0 : i32
      %dma_wait3A_94 = arith.constant 0 : i32
      %dma_wait3A_95 = arith.constant 0 : i32
      %dma_wait3A_96 = arith.constant 0 : i32
      %dma_wait3A_97 = tpu.memref_slice %arg3[%dma_wait3A_93, %dma_wait3A_95, %dma_wait3A_96] : memref<32x80x128xi32, #tpu.memory_space<hbm>> -> memref<1x80x128xi32, #tpu.memory_space<hbm>>
      %dma_wait3A_98 = tpu.memref_squeeze %dma_wait3A_97 : memref<1x80x128xi32, #tpu.memory_space<hbm>> -> memref<80x128xi32, #tpu.memory_space<hbm>>
      %dma_wait3A_99 = arith.constant 0 : i32
      %dma_wait3A_100 = tpu.memref_slice %dma_wait3A_98[%dma_wait3A_94, %dma_wait3A_99] : memref<80x128xi32, #tpu.memory_space<hbm>> -> memref<1x128xi32, #tpu.memory_space<hbm>>
      %dma_wait3A_101 = tpu.memref_squeeze %dma_wait3A_100 : memref<1x128xi32, #tpu.memory_space<hbm>> -> memref<128xi32, #tpu.memory_space<hbm>>
      %dma_wait3A_102 = arith.constant 0 : i32
      %dma_wait3A_103 = arith.constant 0 : i32
      %dma_wait3A_104 = tpu.memref_slice %arg3[%dma_wait3A_93, %dma_wait3A_102, %dma_wait3A_103] : memref<32x80x128xi32, #tpu.memory_space<hbm>> -> memref<1x80x128xi32, #tpu.memory_space<hbm>>
      %dma_wait3A_105 = tpu.memref_squeeze %dma_wait3A_104 : memref<1x80x128xi32, #tpu.memory_space<hbm>> -> memref<80x128xi32, #tpu.memory_space<hbm>>
      %dma_wait3A_106 = arith.constant 0 : i32
      %dma_wait3A_107 = tpu.memref_slice %dma_wait3A_105[%dma_wait3A_94, %dma_wait3A_106] : memref<80x128xi32, #tpu.memory_space<hbm>> -> memref<1x128xi32, #tpu.memory_space<hbm>>
      %dma_wait3A_108 = tpu.memref_squeeze %dma_wait3A_107 : memref<1x128xi32, #tpu.memory_space<hbm>> -> memref<128xi32, #tpu.memory_space<hbm>>
      tpu.wait_dma2 semaphore(%arg15 : memref<!tpu.dma_semaphore, #tpu.memory_space<semaphore_mem>>) src(%dma_wait3A_108 : memref<128xi32, #tpu.memory_space<hbm>>) dst(%arg9 : memref<128xi32, #tpu.memory_space<vmem>>)
      "tpu.region"() ({
        %run_scoped3A = tpu.sem_alloc : memref<!tpu.dma_semaphore, #tpu.memory_space<semaphore_mem>>
        %dma_start3A_116 = arith.constant 0 : i32
        %dma_start3A_117 = arith.constant 0 : i32
        %dma_start3A_118 = tpu.memref_slice %arg6[%dma_start3A_116, %dma_start3A_117] : memref<10240x128xf32, #tpu.memory_space<vmem_shared>> -> memref<10240x128xf32, #tpu.memory_space<vmem_shared>>
        tpu.enqueue_indirect_dma source(%arg11 : memref<128x128xf32, #tpu.memory_space<vmem>>) target(%dma_start3A_118 : memref<10240x128xf32, #tpu.memory_space<vmem_shared>>) offsets(%arg9 : memref<128xi32, #tpu.memory_space<vmem>>) semaphore(%run_scoped3A : memref<!tpu.dma_semaphore, #tpu.memory_space<semaphore_mem>>) {add = true}
        %dma_wait3A_119 = arith.constant 0 : i32
        %dma_wait3A_120 = arith.constant 0 : i32
        %dma_wait3A_121 = tpu.memref_slice %arg6[%dma_wait3A_119, %dma_wait3A_120] : memref<10240x128xf32, #tpu.memory_space<vmem_shared>> -> memref<10240x128xf32, #tpu.memory_space<vmem_shared>>
        tpu.wait_indirect_dma semaphore(%run_scoped3A : memref<!tpu.dma_semaphore, #tpu.memory_space<semaphore_mem>>) src(%arg11 : memref<128x128xf32, #tpu.memory_space<vmem>>) dst(%dma_wait3A_121 : memref<10240x128xf32, #tpu.memory_space<vmem_shared>>)
        tpu.yield
      }) : () -> ()
      %add3A_109 = arith.constant 3 : i32
      %add3A_110 = arith.addi %mul3A_53, %add3A_109 : i32
      %lt3A_111 = arith.constant 80 : i32
      %lt3A_112 = arith.cmpi slt, %add3A_110, %lt3A_111 : i32
      %convert_element_type3A_113 = arith.extui %lt3A_112 : i1 to i32
      %cond3A_114 = arith.constant 0 : i32
      %cond3A_115 = arith.cmpi ne, %convert_element_type3A_113, %cond3A_114 : i32
      scf.if %cond3A_115 {
        %add3A_116 = arith.constant 3 : i32
        %add3A_117 = arith.addi %mul3A_53, %add3A_116 : i32
        %dma_start3A_118 = arith.constant 0 : i32
        %dma_start3A_119 = arith.constant 0 : i32
        %dma_start3A_120 = tpu.memref_slice %arg3[%add3A, %dma_start3A_118, %dma_start3A_119] : memref<32x80x128xi32, #tpu.memory_space<hbm>> -> memref<1x80x128xi32, #tpu.memory_space<hbm>>
        %dma_start3A_121 = tpu.memref_squeeze %dma_start3A_120 : memref<1x80x128xi32, #tpu.memory_space<hbm>> -> memref<80x128xi32, #tpu.memory_space<hbm>>
        %dma_start3A_122 = arith.constant 0 : i32
        %dma_start3A_123 = tpu.memref_slice %dma_start3A_121[%add3A_117, %dma_start3A_122] : memref<80x128xi32, #tpu.memory_space<hbm>> -> memref<1x128xi32, #tpu.memory_space<hbm>>
        %dma_start3A_124 = tpu.memref_squeeze %dma_start3A_123 : memref<1x128xi32, #tpu.memory_space<hbm>> -> memref<128xi32, #tpu.memory_space<hbm>>
        %dma_start3A_125 = arith.constant 0 : i32
        %dma_start3A_126 = arith.constant 0 : i32
        %dma_start3A_127 = tpu.memref_slice %arg3[%add3A, %dma_start3A_125, %dma_start3A_126] : memref<32x80x128xi32, #tpu.memory_space<hbm>> -> memref<1x80x128xi32, #tpu.memory_space<hbm>>
        %dma_start3A_128 = tpu.memref_squeeze %dma_start3A_127 : memref<1x80x128xi32, #tpu.memory_space<hbm>> -> memref<80x128xi32, #tpu.memory_space<hbm>>
        %dma_start3A_129 = arith.constant 0 : i32
        %dma_start3A_130 = tpu.memref_slice %dma_start3A_128[%add3A_117, %dma_start3A_129] : memref<80x128xi32, #tpu.memory_space<hbm>> -> memref<1x128xi32, #tpu.memory_space<hbm>>
        %dma_start3A_131 = tpu.memref_squeeze %dma_start3A_130 : memref<1x128xi32, #tpu.memory_space<hbm>> -> memref<128xi32, #tpu.memory_space<hbm>>
        tpu.enqueue_dma source(%dma_start3A_131 : memref<128xi32, #tpu.memory_space<hbm>>) target(%arg9 : memref<128xi32, #tpu.memory_space<vmem>>) target_semaphore(%arg15 : memref<!tpu.dma_semaphore, #tpu.memory_space<semaphore_mem>>)
      } else {
      }
    }
    %scan3A_45 = arith.constant 40 : i32
    %barrier3A_46 = arith.constant 0 : index
    tpu.barrier barrier_id(%barrier3A_46)
    %mul3A_47 = arith.constant 640 : i32
    %mul3A_48 = arith.muli %arg1, %mul3A_47 : i32
    %mul3A_49 = arith.constant 640 : i32
    %mul3A_50 = arith.muli %arg1, %mul3A_49 : i32
    "tpu.region"() ({
      %run_scoped3A = tpu.sem_alloc : memref<!tpu.dma_semaphore, #tpu.memory_space<semaphore_mem>>
      %dma_start3A_51 = arith.constant 0 : i32
      %dma_start3A_52 = arith.constant 0 : i32
      %dma_start3A_53 = tpu.memref_slice %arg5[%arg0, %dma_start3A_51, %dma_start3A_52] : memref<2x10240x128xf32, #tpu.memory_space<hbm>> -> memref<1x10240x128xf32, #tpu.memory_space<hbm>>
      %dma_start3A_54 = tpu.memref_squeeze %dma_start3A_53 : memref<1x10240x128xf32, #tpu.memory_space<hbm>> -> memref<10240x128xf32, #tpu.memory_space<hbm>>
      %dma_start3A_55 = arith.constant 0 : i32
      %dma_start3A_56 = tpu.memref_slice %dma_start3A_54[%mul3A_50, %dma_start3A_55] : memref<10240x128xf32, #tpu.memory_space<hbm>> -> memref<640x128xf32, #tpu.memory_space<hbm>>
      %dma_start3A_57 = arith.constant 0 : i32
      %dma_start3A_58 = tpu.memref_slice %arg6[%mul3A_48, %dma_start3A_57] : memref<10240x128xf32, #tpu.memory_space<vmem_shared>> -> memref<640x128xf32, #tpu.memory_space<vmem_shared>>
      tpu.enqueue_dma source(%dma_start3A_58 : memref<640x128xf32, #tpu.memory_space<vmem_shared>>) target(%dma_start3A_56 : memref<640x128xf32, #tpu.memory_space<hbm>>) target_semaphore(%run_scoped3A : memref<!tpu.dma_semaphore, #tpu.memory_space<semaphore_mem>>)
      %dma_wait3A = arith.constant 0 : i32
      %dma_wait3A_59 = arith.constant 0 : i32
      %dma_wait3A_60 = tpu.memref_slice %arg5[%arg0, %dma_wait3A, %dma_wait3A_59] : memref<2x10240x128xf32, #tpu.memory_space<hbm>> -> memref<1x10240x128xf32, #tpu.memory_space<hbm>>
      %dma_wait3A_61 = tpu.memref_squeeze %dma_wait3A_60 : memref<1x10240x128xf32, #tpu.memory_space<hbm>> -> memref<10240x128xf32, #tpu.memory_space<hbm>>
      %dma_wait3A_62 = arith.constant 0 : i32
      %dma_wait3A_63 = tpu.memref_slice %dma_wait3A_61[%mul3A_50, %dma_wait3A_62] : memref<10240x128xf32, #tpu.memory_space<hbm>> -> memref<640x128xf32, #tpu.memory_space<hbm>>
      %dma_wait3A_64 = arith.constant 0 : i32
      %dma_wait3A_65 = tpu.memref_slice %arg6[%mul3A_48, %dma_wait3A_64] : memref<10240x128xf32, #tpu.memory_space<vmem_shared>> -> memref<640x128xf32, #tpu.memory_space<vmem_shared>>
      tpu.wait_dma2 semaphore(%run_scoped3A : memref<!tpu.dma_semaphore, #tpu.memory_space<semaphore_mem>>) src(%dma_wait3A_65 : memref<640x128xf32, #tpu.memory_space<vmem_shared>>) dst(%dma_wait3A_63 : memref<640x128xf32, #tpu.memory_space<hbm>>)
      tpu.yield
    }) : () -> ()
    return
  }
}

module attributes {stable_mosaic.version = 14 : i64} {
  func.func @_h_body(%arg0: memref<10240x128xf32, #tpu.memory_space<vmem>>, %arg1: memref<128x128xf32, #tpu.memory_space<vmem>>, %arg2: memref<10240x2xf32, #tpu.memory_space<vmem>>, %arg3: memref<10240x128xf32, #tpu.memory_space<vmem>>, %arg4: memref<10240x1xf32, #tpu.memory_space<vmem>>) attributes {dimension_semantics = [], scalar_prefetch = 0 : i64, scratch_operands = 0 : i64, tpu.core_type = #tpu.core_type<tc>} {
    %get3A = arith.constant 0 : index
    %get3A_0 = arith.constant 0 : index
    %get3A_1 = vector.load %arg2[%get3A, %get3A_0] : memref<10240x2xf32, #tpu.memory_space<vmem>>, vector<10240x1xf32>
    %get3A_2 = arith.constant 0 : index
    %get3A_3 = arith.constant 1 : index
    %get3A_4 = vector.load %arg2[%get3A_2, %get3A_3] : memref<10240x2xf32, #tpu.memory_space<vmem>>, vector<10240x1xf32>
    %add3A = arith.addf %get3A_1, %get3A_4 : vector<10240x1xf32>
    %add3A_5 = arith.constant 1.000000e+00 : f32
    %add3A_6 = vector.broadcast %add3A_5 : f32 to vector<10240x1xf32>
    %add3A_7 = arith.addf %add3A, %add3A_6 : vector<10240x1xf32>
    %rsqrt3A = math.rsqrt %add3A_7 : vector<10240x1xf32>
    %swap3A = arith.constant 0 : index
    %swap3A_8 = arith.constant 0 : index
    %swap3A_9 = vector.load %arg4[%swap3A, %swap3A_8] : memref<10240x1xf32, #tpu.memory_space<vmem>>, vector<10240x1xf32>
    tpu.vector_store %arg4[%swap3A, %swap3A_8], %rsqrt3A {strides = array<i32>} : memref<10240x1xf32, #tpu.memory_space<vmem>>, vector<10240x1xf32>,
    %get3A_10 = arith.constant 0 : index
    %get3A_11 = arith.constant 0 : index
    %get3A_12 = vector.load %arg0[%get3A_10, %get3A_11] : memref<10240x128xf32, #tpu.memory_space<vmem>>, vector<10240x128xf32>
    %get3A_13 = arith.constant 0 : index
    %get3A_14 = arith.constant 0 : index
    %get3A_15 = vector.load %arg1[%get3A_13, %get3A_14] : memref<128x128xf32, #tpu.memory_space<vmem>>, vector<128x128xf32>
    %dot_general3A = arith.constant dense<0.000000e+00> : vector<10240x128xf32>
    %dot_general3A_16 = tpu.matmul %get3A_12, %get3A_15, %dot_general3A {dimension_numbers = #tpu.dot_dimension_numbers<[1], [0], [0], [1], [0, 0, 1, 1], [], []>, transpose_lhs_hint = false} : vector<10240x128xf32>, vector<128x128xf32>, vector<10240x128xf32> -> vector<10240x128xf32>
    %mul3A = vector.broadcast %rsqrt3A : vector<10240x1xf32> to vector<10240x128xf32>
    %mul3A_17 = arith.mulf %dot_general3A_16, %mul3A : vector<10240x128xf32>
    %swap3A_18 = arith.constant 0 : index
    %swap3A_19 = arith.constant 0 : index
    %swap3A_20 = vector.load %arg3[%swap3A_18, %swap3A_19] : memref<10240x128xf32, #tpu.memory_space<vmem>>, vector<10240x128xf32>
    tpu.vector_store %arg3[%swap3A_18, %swap3A_19], %mul3A_17 {strides = array<i32>} : memref<10240x128xf32, #tpu.memory_space<vmem>>, vector<10240x128xf32>,
    return
  }
}

module attributes {stable_mosaic.version = 14 : i64} {
  func.func @_mid_body(%arg0: memref<2x10240x128xf32, #tpu.memory_space<vmem>>, %arg1: memref<10240x128xf32, #tpu.memory_space<vmem>>, %arg2: memref<10240x1xf32, #tpu.memory_space<vmem>>, %arg3: memref<1x128xf32, #tpu.memory_space<vmem>>, %arg4: memref<10240x128xf32, #tpu.memory_space<vmem>>) attributes {dimension_semantics = [], scalar_prefetch = 0 : i64, scratch_operands = 0 : i64, tpu.core_type = #tpu.core_type<tc>} {
    %get3A = arith.constant 0 : index
    %get3A_0 = arith.constant 0 : index
    %get3A_1 = arith.constant 0 : index
    %get3A_2 = vector.load %arg0[%get3A, %get3A_0, %get3A_1] : memref<2x10240x128xf32, #tpu.memory_space<vmem>>, vector<1x10240x128xf32>
    %get3A_3 = vector.shape_cast %get3A_2 : vector<1x10240x128xf32> to vector<10240x128xf32>
    %get3A_4 = arith.constant 1 : index
    %get3A_5 = arith.constant 0 : index
    %get3A_6 = arith.constant 0 : index
    %get3A_7 = vector.load %arg0[%get3A_4, %get3A_5, %get3A_6] : memref<2x10240x128xf32, #tpu.memory_space<vmem>>, vector<1x10240x128xf32>
    %get3A_8 = vector.shape_cast %get3A_7 : vector<1x10240x128xf32> to vector<10240x128xf32>
    %add3A = arith.addf %get3A_3, %get3A_8 : vector<10240x128xf32>
    %get3A_9 = arith.constant 0 : index
    %get3A_10 = arith.constant 0 : index
    %get3A_11 = vector.load %arg1[%get3A_9, %get3A_10] : memref<10240x128xf32, #tpu.memory_space<vmem>>, vector<10240x128xf32>
    %sub3A = arith.subf %add3A, %get3A_11 : vector<10240x128xf32>
    %get3A_12 = arith.constant 0 : index
    %get3A_13 = arith.constant 0 : index
    %get3A_14 = vector.load %arg2[%get3A_12, %get3A_13] : memref<10240x1xf32, #tpu.memory_space<vmem>>, vector<10240x1xf32>
    %mul3A = vector.broadcast %get3A_14 : vector<10240x1xf32> to vector<10240x128xf32>
    %mul3A_15 = arith.mulf %sub3A, %mul3A : vector<10240x128xf32>
    %get3A_16 = arith.constant 0 : index
    %get3A_17 = arith.constant 0 : index
    %get3A_18 = vector.load %arg3[%get3A_16, %get3A_17] : memref<1x128xf32, #tpu.memory_space<vmem>>, vector<1x128xf32>
    %add3A_19 = vector.broadcast %get3A_18 : vector<1x128xf32> to vector<10240x128xf32>
    %add3A_20 = arith.addf %mul3A_15, %add3A_19 : vector<10240x128xf32>
    %logistic3A = arith.negf %add3A_20 : vector<10240x128xf32>
    %logistic3A_21 = math.exp %logistic3A : vector<10240x128xf32>
    %logistic3A_22 = arith.constant 1.000000e+00 : f32
    %logistic3A_23 = vector.broadcast %logistic3A_22 : f32 to vector<10240x128xf32>
    %logistic3A_24 = arith.addf %logistic3A_23, %logistic3A_21 : vector<10240x128xf32>
    %logistic3A_25 = arith.divf %logistic3A_23, %logistic3A_24 : vector<10240x128xf32>
    %mul3A_26 = vector.broadcast %get3A_14 : vector<10240x1xf32> to vector<10240x128xf32>
    %mul3A_27 = arith.mulf %logistic3A_25, %mul3A_26 : vector<10240x128xf32>
    %swap3A = arith.constant 0 : index
    %swap3A_28 = arith.constant 0 : index
    %swap3A_29 = vector.load %arg4[%swap3A, %swap3A_28] : memref<10240x128xf32, #tpu.memory_space<vmem>>, vector<10240x128xf32>
    tpu.vector_store %arg4[%swap3A, %swap3A_28], %mul3A_27 {strides = array<i32>} : memref<10240x128xf32, #tpu.memory_space<vmem>>, vector<10240x128xf32>,
    return
  }
}

module attributes {stable_mosaic.version = 14 : i64} {
  func.func @_out_body(%arg0: memref<2x10240x128xf32, #tpu.memory_space<vmem>>, %arg1: memref<10240x128xf32, #tpu.memory_space<vmem>>, %arg2: memref<10240x1xf32, #tpu.memory_space<vmem>>, %arg3: memref<128x8xf32, #tpu.memory_space<vmem>>, %arg4: memref<1x8xf32, #tpu.memory_space<vmem>>, %arg5: memref<10000x8xf32, #tpu.memory_space<vmem>>) attributes {dimension_semantics = [], scalar_prefetch = 0 : i64, scratch_operands = 0 : i64, tpu.core_type = #tpu.core_type<tc>} {
    %get3A = arith.constant 0 : index
    %get3A_0 = arith.constant 0 : index
    %get3A_1 = arith.constant 0 : index
    %get3A_2 = vector.load %arg0[%get3A, %get3A_0, %get3A_1] : memref<2x10240x128xf32, #tpu.memory_space<vmem>>, vector<1x10240x128xf32>
    %get3A_3 = vector.shape_cast %get3A_2 : vector<1x10240x128xf32> to vector<10240x128xf32>
    %get3A_4 = arith.constant 1 : index
    %get3A_5 = arith.constant 0 : index
    %get3A_6 = arith.constant 0 : index
    %get3A_7 = vector.load %arg0[%get3A_4, %get3A_5, %get3A_6] : memref<2x10240x128xf32, #tpu.memory_space<vmem>>, vector<1x10240x128xf32>
    %get3A_8 = vector.shape_cast %get3A_7 : vector<1x10240x128xf32> to vector<10240x128xf32>
    %add3A = arith.addf %get3A_3, %get3A_8 : vector<10240x128xf32>
    %get3A_9 = arith.constant 0 : index
    %get3A_10 = arith.constant 0 : index
    %get3A_11 = vector.load %arg1[%get3A_9, %get3A_10] : memref<10240x128xf32, #tpu.memory_space<vmem>>, vector<10240x128xf32>
    %sub3A = arith.subf %add3A, %get3A_11 : vector<10240x128xf32>
    %get3A_12 = arith.constant 0 : index
    %get3A_13 = arith.constant 0 : index
    %get3A_14 = vector.load %arg2[%get3A_12, %get3A_13] : memref<10240x1xf32, #tpu.memory_space<vmem>>, vector<10240x1xf32>
    %mul3A = vector.broadcast %get3A_14 : vector<10240x1xf32> to vector<10240x128xf32>
    %mul3A_15 = arith.mulf %sub3A, %mul3A : vector<10240x128xf32>
    %get3A_16 = arith.constant 0 : index
    %get3A_17 = arith.constant 0 : index
    %get3A_18 = vector.load %arg3[%get3A_16, %get3A_17] : memref<128x8xf32, #tpu.memory_space<vmem>>, vector<128x8xf32>
    %dot_general3A = arith.constant dense<0.000000e+00> : vector<10240x8xf32>
    %dot_general3A_19 = tpu.matmul %mul3A_15, %get3A_18, %dot_general3A {dimension_numbers = #tpu.dot_dimension_numbers<[1], [0], [0], [1], [0, 0, 1, 1], [], []>, transpose_lhs_hint = false} : vector<10240x128xf32>, vector<128x8xf32>, vector<10240x8xf32> -> vector<10240x8xf32>
    %slice3A = vector.extract_strided_slice %dot_general3A_19 {offsets = [0, 0], sizes = [10000, 8], strides = [1, 1]} : vector<10240x8xf32> to vector<10000x8xf32>
    %get3A_20 = arith.constant 0 : index
    %get3A_21 = arith.constant 0 : index
    %get3A_22 = vector.load %arg4[%get3A_20, %get3A_21] : memref<1x8xf32, #tpu.memory_space<vmem>>, vector<1x8xf32>
    %add3A_23 = vector.broadcast %get3A_22 : vector<1x8xf32> to vector<10000x8xf32>
    %add3A_24 = arith.addf %slice3A, %add3A_23 : vector<10000x8xf32>
    %swap3A = arith.constant 0 : index
    %swap3A_25 = arith.constant 0 : index
    %swap3A_26 = vector.load %arg5[%swap3A, %swap3A_25] : memref<10000x8xf32, #tpu.memory_space<vmem>>, vector<10000x8xf32>
    tpu.vector_store %arg5[%swap3A, %swap3A_25], %add3A_24 {strides = array<i32>} : memref<10000x8xf32, #tpu.memory_space<vmem>>, vector<10000x8xf32>,
    return
  }
}

</mosaic_0001>

<sc_bundles>
// kernel: kernel.11.cloned.1.call-start
scs
__scs_entry_jumppad:
0x0: {  	(pc) =	sbr.rel $0x88, $3  }
0x1: {  	(tag) =	ssettag $0x0;
	lr =	simm.s32 $0x1  }
0x2: {  	[smem:$0x3F9B] =	sst lr;
	_ =	strace $0xD0000000  }
0x3: {  	_ = 	snop  }
0x4: {  	_ = 	snop  }
0x5: {  	_ = 	snop  }
0x6: {  	_ = 	snop  }
0x7: {  	_ = 	snop  }
__scs_overlays_trampoline_lowered:
0x8: {  	[smem:$0x3FAA] =	sst s0  }
0x9: {  	[smem:$0x3FAB] =	sst s1  }
0xa: {  	[smem:$0x3FAC] =	sst s2  }
0xb: {  	[smem:$0x3FAD] =	sst s3  }
0xc: {  	[smem:$0x3FAE] =	sst s4  }
0xd: {  	[smem:$0x3FAF] =	sst s5  }
0xe: {  	[smem:$0x3FB0] =	sst s6  }
0xf: {  	[smem:$0x3FB1] =	sst s7  }
0x10: {  	[smem:$0x3FB2] =	sst s8  }
0x11: {  	[smem:$0x3FB3] =	sst s9;
	s0 =	simm.s32 @!p0 $0x0  }
0x12: {  	s1 =	sld [smem:$0x3F99];
	s0 =	simm.s32 @p0 $0x1  }
0x13: {  	[smem:$0x3FB4] =	sst s0;
	s0 =	simm.s32 @!p1 $0x0  }
0x14: {  	s2 =	sld [smem:$0x3F98];
	s0 =	simm.s32 @p1 $0x1  }
0x15: {  	[smem:$0x3FB5] =	sst s0;
	s0 =	simm.s32 @!p2 $0x0  }
0x16: {  	s3 =	sld [smem:$0x3FDB];
	s0 =	simm.s32 @p2 $0x1  }
0x17: {  	s4 =	simm.s32 $0x1BF5;
	[smem:$0x3FB7] =	sst s0  }
0x18: {  	s0 =	sld [smem:$0x3F9A];
	_ =	swait.ge [sflag:s4], $0x0  }
0x19: {  	s7 =	sld [smem:$0x3F9B]  }
0x1a: {  	s8 =	sadd.s32 $0xFFFFE003, lr  }
0x1b: {  	s9 =	sadd.s32 $0xFFFFFEF7, lr;
	s5 =	simm.s32 $0xFFFFFFFF;
	p2 =	slt.u32 s8, $0xFFFFF086  }
0x1c: {  	p1 =	slt.u32 s9, $0xF7A;
	s5 =	simm.s32 @!p2 $0x0  }
0x1d: {  	s5 =	simm.s32 @p1 $0x1;
	p0 =	seq.s32 s7, s2  }
0x1e: {  	s7 =	smul.u32 @!p0 $0xF7A, s2;
	p2 =	seq.s32 @!p0 s5, $0x0  }
0x1f: {  	s9 =	smul.u32 $0xF7A, s1;
	s8 =	simm.s32 @!p0 $0x1BF5;
	p2 =	por !p2, p0  }
0x20: {  	[sflag:s8] =	ssyncset.s32 @!p0 $0xFFFFF086;
	s6 =	sadd.s32 @!p0 s3, s7;
	s7 =	simm.s32 @!p0 $0x108  }
0x21: {  	s3 =	sadd.s32 s3, s9;
	s6 =	sadd.s32 @!p0 $0x88, s6;
	s7 =	simm.s32 @p2 $0x1082  }
0x22: {  	[simem:s7], [sflag:s8] =	dma.local @!p0 [hbm:s6], $0xF7A  }
0x23: {  	s9 =	sor.u32 $0xD0000000, s2;
	s6 =	simm.s32 $0x108;
	_ =	swait.ge @!p0 [sflag:s8], $0x0  }
0x24: {  	s3 =	sadd.s32 $0x88, s3;
	s6 =	simm.s32 @!p1 $0x1082;
	[sflag:s4] =	ssyncset.s32 $0xFFFFF086  }
0x25: {  	[simem:s6], [sflag:s4] =	dma.local [hbm:s3], $0xF7A  }
0x26: {  	[smem:$0x3F9B] =	sst s1;
	(tag) =	ssettag s2;
	_ =	strace s9  }
0x27: {  	s1 =	sld [smem:$0x3FAB]  }
0x28: {  	s2 =	sld [smem:$0x3FAC]  }
0x29: {  	s4 =	sld [smem:$0x3FAE]  }
0x2a: {  	p0 =	seq.s32 s5, $0x0;
	s5 =	sld [smem:$0x3FAF]  }
0x2b: {  	s6 =	sld [smem:$0x3FB0]  }
0x2c: {  	s7 =	sld [smem:$0x3FB1]  }
0x2d: {  	s3 =	simm.s32 $0x108;
	s8 =	sld [smem:$0x3FB2]  }
0x2e: {  	s3 =	simm.s32 @!p0 $0x1082;
	s9 =	sld [smem:$0x3FB3]  }
0x2f: {  	lr =	sadd.s32 s0, s3;
	s0 =	sld [smem:$0x3FAA]  }
0x30: {  	s3 =	sld [smem:$0x3FAD]  }
0x31: {  	[smem:$0x3FB6] =	sst s10  }
0x32: {  	s10 =	sld [smem:$0x3FB4];
	_ =	sdelay $0x3  }
0x33: {  	p0 =	seq.s32 s10, $0x1;
	s10 =	sld [smem:$0x3FB6];
	_ =	sdelay $0x3  }
0x34: {  	[smem:$0x3FB6] =	sst s10  }
0x35: {  	s10 =	sld [smem:$0x3FB5];
	_ =	sdelay $0x3  }
0x36: {  	p1 =	seq.s32 s10, $0x1;
	s10 =	sld [smem:$0x3FB6];
	_ =	sdelay $0x3  }
0x37: {  	[smem:$0x3FB6] =	sst s10  }
0x38: {  	s10 =	sld [smem:$0x3FB7]  }
0x39: {  	_ = 	snop;
	(pc) =	sbr.ind lr, $3  }
0x3a: {  	_ = 	snop  }
0x3b: {  	_ = 	snop  }
0x3c: {  	p2 =	seq.s32 s10, $0x1;
	s10 =	sld [smem:$0x3FB6]  }
0x3d: {  	_ =	shalt  }
0x3e: {  	_ =	shalt  }
0x3f: {  	_ =	shalt  }
0x40: {  	_ =	shalt  }
0x41: {  	_ =	shalt  }
0x42: {  	_ =	shalt  }
0x43: {  	_ =	shalt  }
0x44: {  	_ =	shalt  }
0x45: {  	_ =	shalt  }
0x46: {  	_ =	shalt  }
0x47: {  	_ =	shalt  }
0x48: {  	_ =	shalt  }
0x49: {  	_ =	shalt  }
0x4a: {  	_ =	shalt  }
0x4b: {  	_ =	shalt  }
0x4c: {  	_ =	shalt  }
0x4d: {  	_ =	shalt  }
0x4e: {  	_ =	shalt  }
0x4f: {  	_ =	shalt  }
0x50: {  	_ =	shalt  }
0x51: {  	_ =	shalt  }
0x52: {  	_ =	shalt  }
0x53: {  	_ =	shalt  }
0x54: {  	_ =	shalt  }
0x55: {  	_ =	shalt  }
0x56: {  	_ =	shalt  }
0x57: {  	_ =	shalt  }
0x58: {  	_ =	shalt  }
0x59: {  	_ =	shalt  }
0x5a: {  	_ =	shalt  }
0x5b: {  	_ =	shalt  }
0x5c: {  	_ =	shalt  }
0x5d: {  	_ =	shalt  }
0x5e: {  	_ =	shalt  }
0x5f: {  	_ =	shalt  }
0x60: {  	_ =	shalt  }
0x61: {  	_ =	shalt  }
0x62: {  	_ =	shalt  }
0x63: {  	_ =	shalt  }
0x64: {  	_ =	shalt  }
0x65: {  	_ =	shalt  }
0x66: {  	_ =	shalt  }
0x67: {  	_ =	shalt  }
0x68: {  	_ =	shalt  }
0x69: {  	_ =	shalt  }
0x6a: {  	_ =	shalt  }
0x6b: {  	_ =	shalt  }
0x6c: {  	_ =	shalt  }
0x6d: {  	_ =	shalt  }
0x6e: {  	_ =	shalt  }
0x6f: {  	_ =	shalt  }
0x70: {  	_ =	shalt  }
0x71: {  	_ =	shalt  }
0x72: {  	_ =	shalt  }
0x73: {  	_ =	shalt  }
0x74: {  	_ =	shalt  }
0x75: {  	_ =	shalt  }
0x76: {  	_ =	shalt  }
0x77: {  	_ =	shalt  }
0x78: {  	_ =	shalt  }
0x79: {  	_ =	shalt  }
0x7a: {  	_ =	shalt  }
0x7b: {  	_ =	shalt  }
0x7c: {  	_ =	shalt  }
0x7d: {  	_ =	shalt  }
0x7e: {  	_ =	shalt  }
0x7f: {  	_ =	shalt  }
0x80: {  	_ =	shalt  }
0x81: {  	_ =	shalt  }
0x82: {  	_ =	shalt  }
0x83: {  	_ =	shalt  }
0x84: {  	_ =	shalt  }
0x85: {  	_ =	shalt  }
0x86: {  	_ =	shalt  }
0x87: {  	_ =	shalt  }
.Lfunc_end0:
.L_simem_size_0:
called_computation.1_lowered:
.L_overlay_start_0:
0x88: {  	s2 =	sld [smem:$0x3FD9]  }
0x89: {  	s3 =	sld [smem:$0x3FFE];
	_ =	sdelay $0x1  }
0x8a: {  	s1 =	srdreg.scid  }
0x8b: {  	s0 =	sand.u32 $0x1, s1  }
0x8c: {  	s16 =	sshll.u32 s0, $0xA;
	s2 =	sadd.s32 s3, s2  }
0x8d: {  	s2 =	sadd.s32 s2, s16  }
0x8e: {  	[smem:$0x3FC2] =	sst s2  }
0x8f: {  	_ = 	snop  }
0x90: {  	(tm) =	ssettm $0x1  }
0x91: {  	s17 =	sld [smem:$0x3FFB];
	_ =	sdelay $0x3  }
0x92: {  	_ =	strace s17  }
0x93: {  	s2 =	sld [smem:$0x3FFC];
	_ =	sdelay $0x3  }
0x94: {  	_ =	strace s2  }
0x95: {  	s2 =	sld [smem:$0x3FFD];
	_ =	sdelay $0x3  }
0x96: {  	_ =	strace s2  }
0x97: {  	_ =	strace $0x8FFFFFFF  }
0x98: {  	s18 =	sld [smem:$0x3FDB];
	_ =	sdelay $0x1  }
0x99: {  	s19 =	simm.s32 $_scs_section_size  }
0x9a: {  	s4 =	simm.s32 $_size__tile_overlayer_lowered;
	s5 =	simm.s32 $_tile_overlayer_lowered  }
0x9b: {  	s22 =	simm.s32 $0x1BFF;
	s21 =	sshll.u32 s5, $0x1;
	s2 =	sadd.s32 s19, s18  }
0x9c: {  	s6 =	simm.s32 $0x0;
	s20 =	sshll.u32 s4, $0x1;
	s4 =	sadd.s32 s21, s2  }
0x9d: {  	[timem:s6], [sflag:s22] =	dma.local [hbm:s4], s20  }
0x9e: {  	_ =	swait.ge [sflag:s22], s20  }
0x9f: {  	s3 =	ssub.s32 $0x0, s20;
	[sflag:s22] =	ssyncset.done $0x0  }
0xa0: {  	[sflag:s22] =	ssyncadd.s32 s3;
	_ =	sdelay $0x1  }
0xa1: {  	s23 =	simm.s32 $0x1B8B  }
0xa2: {  	_ =	swait.ge [sflag:s23], $0x1  }
0xa3: {  	[sflag:s23] =	ssyncset.done $0x0  }
0xa4: {  	s25 =	simm.s32 $0x1B8E;
	s24 =	sld [smem:$0x3FFE];
	[sflag:s23] =	ssyncadd.s32 $0xFFFFFFFF  }
0xa5: {  	s26 =	simm.s32 $execute0_lowered;
	[smem:$0x3FD2] =	sst s25  }
0xa6: {  	s4 =	sshll.u32 s26, $0x1;
	_ =	strace $0x80000049;
	[dreg:$0x1] =	wrdreg $0xFFFFFFFF  }
0xa7: {  	s28 =	simm.s32 $_size_execute0_lowered;
	s2 =	sadd.s32 s2, s4;
	[dreg:$0x0] =	wrdreg $0x0  }
0xa8: {  	s4 =	sshll.u32 s28, $0x1;
	[dreg:$0x2] =	wrdreg s2  }
0xa9: {  	[dreg:$0x3] =	wrdreg s4  }
0xaa: {  	[dreg:$0x4] =	wrdreg $0xC0  }
0xab: {  	_ =	task [dreg:s6], $0x5FFFF  }
0xac: {  	[dreg:$0x1] =	wrdreg $0xFFFFFFFF  }
0xad: {  	[dreg:$0x0] =	wrdreg $0x60  }
0xae: {  	[dreg:$0x2] =	wrdreg s24  }
0xaf: {  	[dreg:$0x3] =	wrdreg $0x0  }
0xb0: {  	[dreg:$0x4] =	wrdreg $0x9  }
0xb1: {  	_ =	task.clear_ibuf [dreg:s6], $0x5FFFF;
	_ =	strace $0x90000049  }
0xb2: {  	s29 =	simm.s32 $0x9;
	_ =	strace $0x8000004B  }
0xb3: {  	_ =	swait.ge [sflag:s29], $0x1  }
0xb4: {  	[sflag:s29] =	ssyncadd.s32 $0xFFFFFFFF  }
0xb5: {  	_ =	strace $0x9000004B  }
0xb6: {  	_ =	sfence  }
0xb7: {  	s30 =	sld [smem:$0x0];
	_ =	sdelay $0x2  }
0xb8: {  	s31 =	sshll.u32 s1, $0xD;
	s1 =	sshrl.u32 s1, $0x2  }
0xb9: {  	s3 =	sand.u32 $0x4000, s31;
	s1 =	sadd.s32 s1, s30  }
0xba: {  	s0 =	sor.u32 s3, s0;
	s1 =	sshll.u32 s1, $0x11  }
0xbb: {  	s0 =	sor.u32 s1, s0  }
0xbc: {  	s0 =	sadd.s32 $0x8F2B, s0  }
0xbd: {  	[sflag:s0] =	ssyncadd.remote.s32 $0x1  }
0xbe: {  	_ =	sfence.sel $0xFFFF  }
0xbf: {  	[dreg:$0x0] =	wrdreg $0xFFFFFFFF;
	(pc) =	sbr.abs _section_cstart, $3  }
0xc0: {  	[dreg:$0x1] =	wrdreg $0xFFFFFFFF  }
0xc1: {  	_ =	task.clear_ibuf [dreg:s6], $0x2FFFF;
	_ =	strace $0x9FFFFFFF  }
0xc2: {  	(tm) =	ssettm $0x7FFFFFFF  }
0xc3: {  	_ =	shalt  }
tec
execute0_lowered:
.L_overlay_start_1:
0x0: {  	(tag) =	ssettag $0x1  }
0x1: {  	s0 =	srdreg.scid  }
0x2: {  	s6 =	rddreg [dreg:$0x0];
	s29 =	stileid.u32  }
0x3: {  	s2 =	rddreg [dreg:$0x1];
	s3 =	simm.s32 $0x0;
	s13 =	simm.s32 $0x80  }
0x4: {  	s14 =	simm.s32 $0x16900;
	s15 =	simm.s32 $0x16800;
	s17 =	simm.s32 $0x16880  }
0x5: {  	s19 =	simm.s32 $0x1A900;
	s20 =	simm.s32 $0x1;
	s21 =	simm.s32 $0x3  }
0x6: {  	s22 =	simm.s32 $0x2;
	s23 =	simm.s32 $0x4;
	s26 =	simm.s32 $0x0  }
0x7: {  	s5 =	sand.u32 $0x1, s0;
	[smem:$0x7FF] =	sst s3;
	s9 =	smul.u32 $0x50000, s29  }
0x8: {  	s24 =	smul.u32 $0x2800, s29;
	s11 =	sshll.u32 s29, $0x6;
	s1 =	sshll.u32 s5, $0x4  }
0x9: {  	_ =	strace $0x8000004A;
	s8 =	smul.u32 $0x28000, s5;
	s5 =	ssub.s32 $0x2, s5  }
0xa: {  	s11 =	sor.u32 $0x1C05, s11;
	s4 =	sor.u32 s29, s1;
	s30 =	sshrl.u32 s5, $0x1  }
0xb: {  	s31 =	sshrl.u32 s9, $0x2;
	s9 =	simm.s32 $0x14000;
	s4 =	smul.u32 $0x500, s4  }
0xc: {  	s8 =	sadd.s32 s8, s6;
	s10 =	ssub.s32 s5, s30;
	s12 =	sadd.s32 s31, s2  }
0xd: {  	s25 =	sadd.s32 $0x3DE00, s8;
	s8 =	smax.u32 s10, $0x1;
	s10 =	simm.s32 $0x5  }
0xe: {  	s12 =	sshrl.u32 s12, $0x3;
	s7 =	sadd.s32 s4, s6;
	s4 =	sadd.s32 $0x15E00, s6  }
0xf: {  	s5 =	sadd.s32 $0xBE00, s7;
	s6 =	sadd.s32 s4, s24;
	s7 =	sadd.s32 $0x1E00, s7  }
0x10: {  	s24 =	sadd.s32 s24, s25;
	s16 =	sadd.s32 $0x10, s7;
	s18 =	sadd.s32 $0x30, s7  }
.LBB2_1:
0x11: {  	[tilespmem:s9], [sflag:$0x5] =	stream.linear.gather [hbm4b:s5+s3], $0x2800, $0x38;
	[tilespmem:$0x1E900] =	vst v63  }
0x12: {  	_ =	swait.ge [sflag:s10], $0x2800  }
0x13: {  	[sflag:s10] =	ssyncset.done $0x0  }
0x14: {  	[sflag:s10] =	ssyncadd.s32 $0xFFFFD800  }
0x15: {  	[spmem:s12], [sflag:s11] =	dma.local [hbm:s6], $0x2800  }
0x16: {  	_ =	swait.ge [sflag:s10], $0x2800  }
0x17: {  	[sflag:s10] =	ssyncset.done $0x0  }
0x18: {  	[sflag:s10] =	ssyncadd.s32 $0xFFFFD800  }
0x19: {  	[bflag:$0x0] =	sbarrier.arrive $0xFFFF  }
0x1a: {  	[tilespmem:s14], [sflag:$0x1] =	stream.indirect.gather [hbm4b:s4+s13], $0x80, s9, s13, $0xb8;
	[tilespmem:$0x1E900] =	vst v63  }
0x1b: {  	_ = 	snop  }
0x1c: {  	[tilespmem:s15], [sflag:$0x3] =	stream.linear.gather [hbm4b:s7+s3], $0x80, $0x38;
	[tilespmem:$0x1E900] =	vst v63  }
0x1d: {  	_ = 	snop  }
0x1e: {  	[tilespmem:s17], [sflag:$0x4] =	stream.linear.gather [hbm4b:s16+s3], $0x80, $0x38;
	[tilespmem:$0x1E900] =	vst v63  }
0x1f: {  	s28 =	simm.s32 $0x14080  }
0x20: {  	[tilespmem:s19], [sflag:$0x2] =	stream.indirect.gather [hbm4b:s4+s13], $0x80, s28, s13, $0xb8;
	[tilespmem:$0x1E900] =	vst v63  }
0x21: {  	_ =	swait.ge [sflag:s20], $0x4000  }
0x22: {  	[sflag:s20] =	ssyncset.done $0x0  }
0x23: {  	[sflag:s20] =	ssyncadd.s32 $0xFFFFC000  }
0x24: {  	_ =	swait.ge [sflag:s21], $0x80  }
0x25: {  	[sflag:s21] =	ssyncset.done $0x0  }
0x26: {  	[sflag:s21] =	ssyncadd.s32 $0xFFFFFF80  }
0x27: {  	[spmem:s2] =	stream.indirect.scatter.add.f32 [tilespmem:s14], [sflag:$0x5], $0x80, s15, s13, $0xb8;
	[tilespmem:$0x1E900] =	vst v63  }
0x28: {  	_ =	swait.ge [sflag:s10], $0x4000  }
0x29: {  	[sflag:s10] =	ssyncset.done $0x0  }
0x2a: {  	s28 =	simm.s32 $0x14100;
	[sflag:s10] =	ssyncadd.s32 $0xFFFFC000  }
0x2b: {  	[tilespmem:s14], [sflag:$0x1] =	stream.indirect.gather [hbm4b:s4+s13], $0x80, s28, s13, $0xb8;
	[tilespmem:$0x1E900] =	vst v63  }
0x2c: {  	s28 =	sadd.s32 $0xFFFFFFF0, s18  }
0x2d: {  	[tilespmem:s15], [sflag:$0x3] =	stream.linear.gather [hbm4b:s28+s3], $0x80, $0x38;
	[tilespmem:$0x1E900] =	vst v63  }
0x2e: {  	_ =	swait.ge [sflag:s22], $0x4000  }
0x2f: {  	[sflag:s22] =	ssyncset.done $0x0  }
0x30: {  	[sflag:s22] =	ssyncadd.s32 $0xFFFFC000  }
0x31: {  	_ =	swait.ge [sflag:s23], $0x80  }
0x32: {  	[sflag:s23] =	ssyncset.done $0x0  }
0x33: {  	[sflag:s23] =	ssyncadd.s32 $0xFFFFFF80  }
0x34: {  	[spmem:s2] =	stream.indirect.scatter.add.f32 [tilespmem:s19], [sflag:$0x5], $0x80, s17, s13, $0xb8;
	[tilespmem:$0x1E900] =	vst v63  }
0x35: {  	_ =	swait.ge [sflag:s10], $0x4000  }
0x36: {  	s29 =	simm.s32 $0xFFFFDA00;
	s31 =	simm.s32 $0xFFFF6C00;
	[sflag:s10] =	ssyncset.done $0x0  }
0x37: {  	s30 =	smov.u32 s18;
	s28 =	sadd.s32 $0x20, s18;
	[sflag:s10] =	ssyncadd.s32 $0xFFFFC000  }
.LBB2_2:
0x38: {  	[tilespmem:s17], [sflag:$0x4] =	stream.linear.gather [hbm4b:s30+s3], $0x80, $0x38;
	[tilespmem:$0x1E900] =	vst v63  }
0x39: {  	s1 =	smov.u32 s31;
	s30 =	smov.u32 s28  }
0x3a: {  	s0 =	sadd.s32 $0x400, s31;
	s25 =	sadd.s32 $0x16780, s29;
	s1 =	sshra.s32 s1, $0x2  }
0x3b: {  	[tilespmem:s19], [sflag:$0x2] =	stream.indirect.gather [hbm4b:s4+s13], $0x80, s25, s13, $0xb8;
	[tilespmem:$0x1E900] =	vst v63  }
0x3c: {  	p0 =	sne.s32 s31, $0xFFFFFC00;
	_ =	swait.ge [sflag:s20], $0x4000  }
0x3d: {  	[sflag:s20] =	ssyncset.done $0x0  }
0x3e: {  	[sflag:s20] =	ssyncadd.s32 $0xFFFFC000  }
0x3f: {  	_ =	swait.ge [sflag:s21], $0x80  }
0x40: {  	[sflag:s21] =	ssyncset.done $0x0  }
0x41: {  	[sflag:s21] =	ssyncadd.s32 $0xFFFFFF80  }
0x42: {  	[spmem:s2] =	stream.indirect.scatter.add.f32 [tilespmem:s14], [sflag:$0x5], $0x80, s15, s13, $0xb8;
	[tilespmem:$0x1E900] =	vst v63  }
0x43: {  	_ =	swait.ge [sflag:s10], $0x4000  }
0x44: {  	[sflag:s10] =	ssyncset.done $0x0  }
0x45: {  	s25 =	sadd.s32 $0x16800, s29;
	s29 =	smov.u32 s1;
	[sflag:s10] =	ssyncadd.s32 $0xFFFFC000  }
0x46: {  	[tilespmem:s14], [sflag:$0x1] =	stream.indirect.gather [hbm4b:s4+s13], $0x80, s25, s13, $0xb8;
	[tilespmem:$0x1E900] =	vst v63  }
0x47: {  	s1 =	sadd.s32 $0xFFFFFFF0, s28  }
0x48: {  	[tilespmem:s15], [sflag:$0x3] =	stream.linear.gather [hbm4b:s1+s3], $0x80, $0x38;
	[tilespmem:$0x1E900] =	vst v63  }
0x49: {  	_ =	swait.ge [sflag:s22], $0x4000  }
0x4a: {  	[sflag:s22] =	ssyncset.done $0x0  }
0x4b: {  	[sflag:s22] =	ssyncadd.s32 $0xFFFFC000  }
0x4c: {  	_ =	swait.ge [sflag:s23], $0x80  }
0x4d: {  	[sflag:s23] =	ssyncset.done $0x0  }
.Ltmp0:
0x4e: {  	[sflag:s23] =	ssyncadd.s32 $0xFFFFFF80;
	(pc) =	sbr.rel @p0 .LBB2_2-.Ltmp0, $4  }
0x4f: {  	[spmem:s2] =	stream.indirect.scatter.add.f32 [tilespmem:s19], [sflag:$0x5], $0x80, s17, s13, $0xb8;
	[tilespmem:$0x1E900] =	vst v63  }
0x50: {  	_ =	swait.ge [sflag:s10], $0x4000  }
0x51: {  	[sflag:s10] =	ssyncset.done $0x0  }
0x52: {  	s31 =	smov.u32 s0;
	s28 =	sadd.s32 $0x20, s28;
	[sflag:s10] =	ssyncadd.s32 $0xFFFFC000  }
0x53: {  	[tilespmem:s17], [sflag:$0x4] =	stream.linear.gather [hbm4b:s30+s3], $0x80, $0x38;
	[tilespmem:$0x1E900] =	vst v63  }
0x54: {  	s0 =	sadd.s32 $0x16780, s29  }
0x55: {  	[tilespmem:s19], [sflag:$0x2] =	stream.indirect.gather [hbm4b:s4+s13], $0x80, s0, s13, $0xb8;
	[tilespmem:$0x1E900] =	vst v63  }
0x56: {  	_ =	swait.ge [sflag:s20], $0x4000  }
0x57: {  	[sflag:s20] =	ssyncset.done $0x0  }
0x58: {  	[sflag:s20] =	ssyncadd.s32 $0xFFFFC000  }
0x59: {  	_ =	swait.ge [sflag:s21], $0x80  }
0x5a: {  	[sflag:s21] =	ssyncset.done $0x0  }
0x5b: {  	[sflag:s21] =	ssyncadd.s32 $0xFFFFFF80  }
0x5c: {  	[spmem:s2] =	stream.indirect.scatter.add.f32 [tilespmem:s14], [sflag:$0x5], $0x80, s15, s13, $0xb8;
	[tilespmem:$0x1E900] =	vst v63  }
0x5d: {  	_ =	swait.ge [sflag:s10], $0x4000  }
0x5e: {  	[sflag:s10] =	ssyncset.done $0x0  }
0x5f: {  	s29 =	sadd.s32 $0x16800, s29;
	[sflag:s10] =	ssyncadd.s32 $0xFFFFC000  }
0x60: {  	[tilespmem:s14], [sflag:$0x1] =	stream.indirect.gather [hbm4b:s4+s13], $0x80, s29, s13, $0xb8;
	[tilespmem:$0x1E900] =	vst v63  }
0x61: {  	s30 =	sadd.s32 $0xFFFFFFF0, s28  }
0x62: {  	[tilespmem:s15], [sflag:$0x3] =	stream.linear.gather [hbm4b:s30+s3], $0x80, $0x38;
	[tilespmem:$0x1E900] =	vst v63  }
0x63: {  	_ =	swait.ge [sflag:s22], $0x4000  }
0x64: {  	[sflag:s22] =	ssyncset.done $0x0  }
0x65: {  	[sflag:s22] =	ssyncadd.s32 $0xFFFFC000  }
0x66: {  	_ =	swait.ge [sflag:s23], $0x80  }
0x67: {  	[sflag:s23] =	ssyncset.done $0x0  }
0x68: {  	[sflag:s23] =	ssyncadd.s32 $0xFFFFFF80  }
0x69: {  	[spmem:s2] =	stream.indirect.scatter.add.f32 [tilespmem:s19], [sflag:$0x5], $0x80, s17, s13, $0xb8;
	[tilespmem:$0x1E900] =	vst v63  }
0x6a: {  	_ =	swait.ge [sflag:s10], $0x4000  }
0x6b: {  	[sflag:s10] =	ssyncset.done $0x0  }
0x6c: {  	[sflag:s10] =	ssyncadd.s32 $0xFFFFC000  }
0x6d: {  	[tilespmem:s17], [sflag:$0x4] =	stream.linear.gather [hbm4b:s28+s3], $0x80, $0x38;
	[tilespmem:$0x1E900] =	vst v63  }
0x6e: {  	s31 =	simm.s32 $0x16780  }
0x6f: {  	[tilespmem:s19], [sflag:$0x2] =	stream.indirect.gather [hbm4b:s4+s13], $0x80, s31, s13, $0xb8;
	[tilespmem:$0x1E900] =	vst v63  }
0x70: {  	_ =	swait.ge [sflag:s20], $0x4000  }
0x71: {  	[sflag:s20] =	ssyncset.done $0x0  }
0x72: {  	[sflag:s20] =	ssyncadd.s32 $0xFFFFC000  }
0x73: {  	_ =	swait.ge [sflag:s21], $0x80  }
0x74: {  	[sflag:s21] =	ssyncset.done $0x0  }
0x75: {  	[sflag:s21] =	ssyncadd.s32 $0xFFFFFF80  }
0x76: {  	[spmem:s2] =	stream.indirect.scatter.add.f32 [tilespmem:s14], [sflag:$0x5], $0x80, s15, s13, $0xb8;
	[tilespmem:$0x1E900] =	vst v63  }
0x77: {  	_ =	swait.ge [sflag:s10], $0x4000  }
0x78: {  	[sflag:s10] =	ssyncset.done $0x0  }
0x79: {  	[sflag:s10] =	ssyncadd.s32 $0xFFFFC000  }
0x7a: {  	_ =	swait.ge [sflag:s22], $0x4000  }
0x7b: {  	[sflag:s22] =	ssyncset.done $0x0  }
0x7c: {  	[sflag:s22] =	ssyncadd.s32 $0xFFFFC000  }
0x7d: {  	_ =	swait.ge [sflag:s23], $0x80  }
0x7e: {  	[sflag:s23] =	ssyncset.done $0x0  }
0x7f: {  	[sflag:s23] =	ssyncadd.s32 $0xFFFFFF80  }
0x80: {  	[spmem:s2] =	stream.indirect.scatter.add.f32 [tilespmem:s19], [sflag:$0x5], $0x80, s17, s13, $0xb8;
	[tilespmem:$0x1E900] =	vst v63  }
0x81: {  	_ =	swait.ge [sflag:s10], $0x4000  }
0x82: {  	s26 =	sadd.s32 $0x1, s26;
	[sflag:s10] =	ssyncset.done $0x0  }
0x83: {  	p0 =	sne.s32 s26, s8;
	[sflag:s10] =	ssyncadd.s32 $0xFFFFC000  }
.Ltmp1:
0x84: {  	[bflag:$0x0] =	sbarrier.arrive $0xFFFF;
	(pc) =	sbr.rel @p0 .LBB2_1-.Ltmp1, $4  }
0x85: {  	[hbm:s24], [sflag:s11] =	dma.local [spmem:s12], $0x2800  }
0x86: {  	_ =	swait.ge [sflag:s10], $0x2800  }
0x87: {  	[sflag:s10] =	ssyncset.done $0x0  }
0x88: {  	[sflag:s10] =	ssyncadd.s32 $0xFFFFD800  }
0x89: {  	_ =	sfence.sel $0x180000  }
0x8a: {  	[bflag:$0x0] =	sbarrier.arrive $0xFFFF  }
0x8b: {  	_ =	strace $0x9000004A  }
0x8c: {  	s0 =	stileid.u32;
	[bflag:$0x2] =	sbarrier.arrive $0xFFFF  }
0x8d: {  	p0 =	sne.s32 s0, $0x0;
	s0 =	rddreg [dreg:$0x2]  }
0x8e: {  	s0 =	sadd.s32 @!p0 $0x100000, s0  }
0x8f: {  	[sflag:s0] =	ssyncadd.tile.s32 @!p0 $0x1;
	_ =	shalt  }
.Lfunc_end2:
_tile_overlayer_lowered:
.L_overlay_start_2:
0x90: {  	(tag) =	ssettag $0x2  }
0x91: {  	s0 =	rddreg [dreg:$0x0];
	s2 =	stileid.u32  }
0x92: {  	s1 =	rddreg [dreg:$0x1];
	p0 =	sne.s32 s2, $0x0  }
0x93: {  	s3 =	rddreg [dreg:$0x2];
	[bflag:$0x3] =	sbarrier.arrive $0xFFFF;
	s2 =	simm.s32 @!p0 $0x1C05  }
0x94: {  	[timem:s3], [sflag:s2] =	dma.local @!p0 [hbm:s0], s1  }
0x95: {  	s0 =	simm.s32 @!p0 $0x5  }
0x96: {  	_ =	swait.ge @!p0 [sflag:s0], s1  }
0x97: {  	s1 =	ssub.s32 @!p0 $0x0, s1;
	[sflag:s0] =	ssyncset.done @!p0 $0x0  }
0x98: {  	[sflag:s0] =	ssyncadd.s32 @!p0 s1  }
0x99: {  	[bflag:$0x3] =	sbarrier.arrive $0xFFFF  }
0x9a: {  	_ =	shalt  }

// kernel: kernel.14.cloned.1.call-start
scs
__scs_entry_jumppad:
0x0: {  	(pc) =	sbr.rel $0x88, $3  }
0x1: {  	(tag) =	ssettag $0x0;
	lr =	simm.s32 $0x1  }
0x2: {  	[smem:$0x3F9B] =	sst lr;
	_ =	strace $0xD0000000  }
0x3: {  	_ = 	snop  }
0x4: {  	_ = 	snop  }
0x5: {  	_ = 	snop  }
0x6: {  	_ = 	snop  }
0x7: {  	_ = 	snop  }
__scs_overlays_trampoline_lowered:
0x8: {  	[smem:$0x3FAA] =	sst s0  }
0x9: {  	[smem:$0x3FAB] =	sst s1  }
0xa: {  	[smem:$0x3FAC] =	sst s2  }
0xb: {  	[smem:$0x3FAD] =	sst s3  }
0xc: {  	[smem:$0x3FAE] =	sst s4  }
0xd: {  	[smem:$0x3FAF] =	sst s5  }
0xe: {  	[smem:$0x3FB0] =	sst s6  }
0xf: {  	[smem:$0x3FB1] =	sst s7  }
0x10: {  	[smem:$0x3FB2] =	sst s8  }
0x11: {  	[smem:$0x3FB3] =	sst s9;
	s0 =	simm.s32 @!p0 $0x0  }
0x12: {  	s1 =	sld [smem:$0x3F99];
	s0 =	simm.s32 @p0 $0x1  }
0x13: {  	[smem:$0x3FB4] =	sst s0;
	s0 =	simm.s32 @!p1 $0x0  }
0x14: {  	s2 =	sld [smem:$0x3F98];
	s0 =	simm.s32 @p1 $0x1  }
0x15: {  	[smem:$0x3FB5] =	sst s0;
	s0 =	simm.s32 @!p2 $0x0  }
0x16: {  	s3 =	sld [smem:$0x3FDB];
	s0 =	simm.s32 @p2 $0x1  }
0x17: {  	s4 =	simm.s32 $0x1BF5;
	[smem:$0x3FB7] =	sst s0  }
0x18: {  	s0 =	sld [smem:$0x3F9A];
	_ =	swait.ge [sflag:s4], $0x0  }
0x19: {  	s7 =	sld [smem:$0x3F9B]  }
0x1a: {  	s8 =	sadd.s32 $0xFFFFE003, lr  }
0x1b: {  	s9 =	sadd.s32 $0xFFFFFEF7, lr;
	s5 =	simm.s32 $0xFFFFFFFF;
	p2 =	slt.u32 s8, $0xFFFFF086  }
0x1c: {  	p1 =	slt.u32 s9, $0xF7A;
	s5 =	simm.s32 @!p2 $0x0  }
0x1d: {  	s5 =	simm.s32 @p1 $0x1;
	p0 =	seq.s32 s7, s2  }
0x1e: {  	s7 =	smul.u32 @!p0 $0xF7A, s2;
	p2 =	seq.s32 @!p0 s5, $0x0  }
0x1f: {  	s9 =	smul.u32 $0xF7A, s1;
	s8 =	simm.s32 @!p0 $0x1BF5;
	p2 =	por !p2, p0  }
0x20: {  	[sflag:s8] =	ssyncset.s32 @!p0 $0xFFFFF086;
	s6 =	sadd.s32 @!p0 s3, s7;
	s7 =	simm.s32 @!p0 $0x108  }
0x21: {  	s3 =	sadd.s32 s3, s9;
	s6 =	sadd.s32 @!p0 $0x88, s6;
	s7 =	simm.s32 @p2 $0x1082  }
0x22: {  	[simem:s7], [sflag:s8] =	dma.local @!p0 [hbm:s6], $0xF7A  }
0x23: {  	s9 =	sor.u32 $0xD0000000, s2;
	s6 =	simm.s32 $0x108;
	_ =	swait.ge @!p0 [sflag:s8], $0x0  }
0x24: {  	s3 =	sadd.s32 $0x88, s3;
	s6 =	simm.s32 @!p1 $0x1082;
	[sflag:s4] =	ssyncset.s32 $0xFFFFF086  }
0x25: {  	[simem:s6], [sflag:s4] =	dma.local [hbm:s3], $0xF7A  }
0x26: {  	[smem:$0x3F9B] =	sst s1;
	(tag) =	ssettag s2;
	_ =	strace s9  }
0x27: {  	s1 =	sld [smem:$0x3FAB]  }
0x28: {  	s2 =	sld [smem:$0x3FAC]  }
0x29: {  	s4 =	sld [smem:$0x3FAE]  }
0x2a: {  	p0 =	seq.s32 s5, $0x0;
	s5 =	sld [smem:$0x3FAF]  }
0x2b: {  	s6 =	sld [smem:$0x3FB0]  }
0x2c: {  	s7 =	sld [smem:$0x3FB1]  }
0x2d: {  	s3 =	simm.s32 $0x108;
	s8 =	sld [smem:$0x3FB2]  }
0x2e: {  	s3 =	simm.s32 @!p0 $0x1082;
	s9 =	sld [smem:$0x3FB3]  }
0x2f: {  	lr =	sadd.s32 s0, s3;
	s0 =	sld [smem:$0x3FAA]  }
0x30: {  	s3 =	sld [smem:$0x3FAD]  }
0x31: {  	[smem:$0x3FB6] =	sst s10  }
0x32: {  	s10 =	sld [smem:$0x3FB4];
	_ =	sdelay $0x3  }
0x33: {  	p0 =	seq.s32 s10, $0x1;
	s10 =	sld [smem:$0x3FB6];
	_ =	sdelay $0x3  }
0x34: {  	[smem:$0x3FB6] =	sst s10  }
0x35: {  	s10 =	sld [smem:$0x3FB5];
	_ =	sdelay $0x3  }
0x36: {  	p1 =	seq.s32 s10, $0x1;
	s10 =	sld [smem:$0x3FB6];
	_ =	sdelay $0x3  }
0x37: {  	[smem:$0x3FB6] =	sst s10  }
0x38: {  	s10 =	sld [smem:$0x3FB7]  }
0x39: {  	_ = 	snop;
	(pc) =	sbr.ind lr, $3  }
0x3a: {  	_ = 	snop  }
0x3b: {  	_ = 	snop  }
0x3c: {  	p2 =	seq.s32 s10, $0x1;
	s10 =	sld [smem:$0x3FB6]  }
0x3d: {  	_ =	shalt  }
0x3e: {  	_ =	shalt  }
0x3f: {  	_ =	shalt  }
0x40: {  	_ =	shalt  }
0x41: {  	_ =	shalt  }
0x42: {  	_ =	shalt  }
0x43: {  	_ =	shalt  }
0x44: {  	_ =	shalt  }
0x45: {  	_ =	shalt  }
0x46: {  	_ =	shalt  }
0x47: {  	_ =	shalt  }
0x48: {  	_ =	shalt  }
0x49: {  	_ =	shalt  }
0x4a: {  	_ =	shalt  }
0x4b: {  	_ =	shalt  }
0x4c: {  	_ =	shalt  }
0x4d: {  	_ =	shalt  }
0x4e: {  	_ =	shalt  }
0x4f: {  	_ =	shalt  }
0x50: {  	_ =	shalt  }
0x51: {  	_ =	shalt  }
0x52: {  	_ =	shalt  }
0x53: {  	_ =	shalt  }
0x54: {  	_ =	shalt  }
0x55: {  	_ =	shalt  }
0x56: {  	_ =	shalt  }
0x57: {  	_ =	shalt  }
0x58: {  	_ =	shalt  }
0x59: {  	_ =	shalt  }
0x5a: {  	_ =	shalt  }
0x5b: {  	_ =	shalt  }
0x5c: {  	_ =	shalt  }
0x5d: {  	_ =	shalt  }
0x5e: {  	_ =	shalt  }
0x5f: {  	_ =	shalt  }
0x60: {  	_ =	shalt  }
0x61: {  	_ =	shalt  }
0x62: {  	_ =	shalt  }
0x63: {  	_ =	shalt  }
0x64: {  	_ =	shalt  }
0x65: {  	_ =	shalt  }
0x66: {  	_ =	shalt  }
0x67: {  	_ =	shalt  }
0x68: {  	_ =	shalt  }
0x69: {  	_ =	shalt  }
0x6a: {  	_ =	shalt  }
0x6b: {  	_ =	shalt  }
0x6c: {  	_ =	shalt  }
0x6d: {  	_ =	shalt  }
0x6e: {  	_ =	shalt  }
0x6f: {  	_ =	shalt  }
0x70: {  	_ =	shalt  }
0x71: {  	_ =	shalt  }
0x72: {  	_ =	shalt  }
0x73: {  	_ =	shalt  }
0x74: {  	_ =	shalt  }
0x75: {  	_ =	shalt  }
0x76: {  	_ =	shalt  }
0x77: {  	_ =	shalt  }
0x78: {  	_ =	shalt  }
0x79: {  	_ =	shalt  }
0x7a: {  	_ =	shalt  }
0x7b: {  	_ =	shalt  }
0x7c: {  	_ =	shalt  }
0x7d: {  	_ =	shalt  }
0x7e: {  	_ =	shalt  }
0x7f: {  	_ =	shalt  }
0x80: {  	_ =	shalt  }
0x81: {  	_ =	shalt  }
0x82: {  	_ =	shalt  }
0x83: {  	_ =	shalt  }
0x84: {  	_ =	shalt  }
0x85: {  	_ =	shalt  }
0x86: {  	_ =	shalt  }
0x87: {  	_ =	shalt  }
.Lfunc_end0:
.L_simem_size_0:
called_computation.2_lowered:
.L_overlay_start_0:
0x88: {  	s2 =	sld [smem:$0x3FD9]  }
0x89: {  	s3 =	sld [smem:$0x3FFE];
	_ =	sdelay $0x1  }
0x8a: {  	s1 =	srdreg.scid  }
0x8b: {  	s0 =	sand.u32 $0x1, s1  }
0x8c: {  	s16 =	sshll.u32 s0, $0xA;
	s2 =	sadd.s32 s3, s2  }
0x8d: {  	s2 =	sadd.s32 s2, s16  }
0x8e: {  	[smem:$0x3FC2] =	sst s2  }
0x8f: {  	_ = 	snop  }
0x90: {  	(tm) =	ssettm $0x1  }
0x91: {  	s17 =	sld [smem:$0x3FFB];
	_ =	sdelay $0x3  }
0x92: {  	_ =	strace s17  }
0x93: {  	s2 =	sld [smem:$0x3FFC];
	_ =	sdelay $0x3  }
0x94: {  	_ =	strace s2  }
0x95: {  	s2 =	sld [smem:$0x3FFD];
	_ =	sdelay $0x3  }
0x96: {  	_ =	strace s2  }
0x97: {  	_ =	strace $0x8FFFFFFF  }
0x98: {  	s18 =	sld [smem:$0x3FDB];
	_ =	sdelay $0x1  }
0x99: {  	s19 =	simm.s32 $_scs_section_size  }
0x9a: {  	s4 =	simm.s32 $_size__tile_overlayer_lowered;
	s5 =	simm.s32 $_tile_overlayer_lowered  }
0x9b: {  	s22 =	simm.s32 $0x1BFF;
	s21 =	sshll.u32 s5, $0x1;
	s2 =	sadd.s32 s19, s18  }
0x9c: {  	s6 =	simm.s32 $0x0;
	s20 =	sshll.u32 s4, $0x1;
	s4 =	sadd.s32 s21, s2  }
0x9d: {  	[timem:s6], [sflag:s22] =	dma.local [hbm:s4], s20  }
0x9e: {  	_ =	swait.ge [sflag:s22], s20  }
0x9f: {  	s3 =	ssub.s32 $0x0, s20;
	[sflag:s22] =	ssyncset.done $0x0  }
0xa0: {  	[sflag:s22] =	ssyncadd.s32 s3;
	_ =	sdelay $0x1  }
0xa1: {  	s23 =	simm.s32 $0x1B8B  }
0xa2: {  	_ =	swait.ge [sflag:s23], $0x1  }
0xa3: {  	[sflag:s23] =	ssyncset.done $0x0  }
0xa4: {  	s25 =	simm.s32 $0x1B8E;
	s24 =	sld [smem:$0x3FFE];
	[sflag:s23] =	ssyncadd.s32 $0xFFFFFFFF  }
0xa5: {  	s26 =	simm.s32 $execute0_lowered;
	[smem:$0x3FD2] =	sst s25  }
0xa6: {  	s4 =	sshll.u32 s26, $0x1;
	_ =	strace $0x8000004C;
	[dreg:$0x1] =	wrdreg $0xFFFFFFFF  }
0xa7: {  	s28 =	simm.s32 $_size_execute0_lowered;
	s2 =	sadd.s32 s2, s4;
	[dreg:$0x0] =	wrdreg $0x0  }
0xa8: {  	s4 =	sshll.u32 s28, $0x1;
	[dreg:$0x2] =	wrdreg s2  }
0xa9: {  	[dreg:$0x3] =	wrdreg s4  }
0xaa: {  	[dreg:$0x4] =	wrdreg $0xC0  }
0xab: {  	_ =	task [dreg:s6], $0x5FFFF  }
0xac: {  	[dreg:$0x1] =	wrdreg $0xFFFFFFFF  }
0xad: {  	[dreg:$0x0] =	wrdreg $0x60  }
0xae: {  	[dreg:$0x2] =	wrdreg s24  }
0xaf: {  	[dreg:$0x3] =	wrdreg $0x0  }
0xb0: {  	[dreg:$0x4] =	wrdreg $0x9  }
0xb1: {  	_ =	task.clear_ibuf [dreg:s6], $0x5FFFF;
	_ =	strace $0x9000004C  }
0xb2: {  	s29 =	simm.s32 $0x9;
	_ =	strace $0x8000004E  }
0xb3: {  	_ =	swait.ge [sflag:s29], $0x1  }
0xb4: {  	[sflag:s29] =	ssyncadd.s32 $0xFFFFFFFF  }
0xb5: {  	_ =	strace $0x9000004E  }
0xb6: {  	_ =	sfence  }
0xb7: {  	s30 =	sld [smem:$0x0];
	_ =	sdelay $0x2  }
0xb8: {  	s31 =	sshll.u32 s1, $0xD;
	s1 =	sshrl.u32 s1, $0x2  }
0xb9: {  	s3 =	sand.u32 $0x4000, s31;
	s1 =	sadd.s32 s1, s30  }
0xba: {  	s0 =	sor.u32 s3, s0;
	s1 =	sshll.u32 s1, $0x11  }
0xbb: {  	s0 =	sor.u32 s1, s0  }
0xbc: {  	s0 =	sadd.s32 $0x8F2B, s0  }
0xbd: {  	[sflag:s0] =	ssyncadd.remote.s32 $0x1  }
0xbe: {  	_ =	sfence.sel $0xFFFF  }
0xbf: {  	[dreg:$0x0] =	wrdreg $0xFFFFFFFF;
	(pc) =	sbr.abs _section_cstart, $3  }
0xc0: {  	[dreg:$0x1] =	wrdreg $0xFFFFFFFF  }
0xc1: {  	_ =	task.clear_ibuf [dreg:s6], $0x2FFFF;
	_ =	strace $0x9FFFFFFF  }
0xc2: {  	(tm) =	ssettm $0x7FFFFFFF  }
0xc3: {  	_ =	shalt  }
tec
execute0_lowered:
.L_overlay_start_1:
0x0: {  	(tag) =	ssettag $0x1  }
0x1: {  	s0 =	srdreg.scid  }
0x2: {  	s6 =	rddreg [dreg:$0x0];
	s29 =	stileid.u32  }
0x3: {  	s2 =	rddreg [dreg:$0x1];
	s3 =	simm.s32 $0x0;
	s13 =	simm.s32 $0x80  }
0x4: {  	s14 =	simm.s32 $0x16900;
	s15 =	simm.s32 $0x16800;
	s17 =	simm.s32 $0x16880  }
0x5: {  	s19 =	simm.s32 $0x1A900;
	s20 =	simm.s32 $0x1;
	s21 =	simm.s32 $0x3  }
0x6: {  	s22 =	simm.s32 $0x2;
	s23 =	simm.s32 $0x4;
	s26 =	simm.s32 $0x0  }
0x7: {  	s5 =	sand.u32 $0x1, s0;
	[smem:$0x7FF] =	sst s3;
	s9 =	smul.u32 $0x50000, s29  }
0x8: {  	s24 =	smul.u32 $0x2800, s29;
	s11 =	sshll.u32 s29, $0x6;
	s1 =	sshll.u32 s5, $0x4  }
0x9: {  	_ =	strace $0x8000004D;
	s8 =	smul.u32 $0x28000, s5;
	s5 =	ssub.s32 $0x2, s5  }
0xa: {  	s11 =	sor.u32 $0x1C05, s11;
	s4 =	sor.u32 s29, s1;
	s30 =	sshrl.u32 s5, $0x1  }
0xb: {  	s31 =	sshrl.u32 s9, $0x2;
	s9 =	simm.s32 $0x14000;
	s4 =	smul.u32 $0x500, s4  }
0xc: {  	s8 =	sadd.s32 s8, s6;
	s10 =	ssub.s32 s5, s30;
	s12 =	sadd.s32 s31, s2  }
0xd: {  	s25 =	sadd.s32 $0x3DE00, s8;
	s8 =	smax.u32 s10, $0x1;
	s10 =	simm.s32 $0x5  }
0xe: {  	s12 =	sshrl.u32 s12, $0x3;
	s7 =	sadd.s32 s4, s6;
	s4 =	sadd.s32 $0x15E00, s6  }
0xf: {  	s5 =	sadd.s32 $0xBE00, s7;
	s6 =	sadd.s32 s4, s24;
	s7 =	sadd.s32 $0x1E00, s7  }
0x10: {  	s24 =	sadd.s32 s24, s25;
	s16 =	sadd.s32 $0x10, s7;
	s18 =	sadd.s32 $0x30, s7  }
.LBB2_1:
0x11: {  	[tilespmem:s9], [sflag:$0x5] =	stream.linear.gather [hbm4b:s5+s3], $0x2800, $0x38;
	[tilespmem:$0x1E900] =	vst v63  }
0x12: {  	_ =	swait.ge [sflag:s10], $0x2800  }
0x13: {  	[sflag:s10] =	ssyncset.done $0x0  }
0x14: {  	[sflag:s10] =	ssyncadd.s32 $0xFFFFD800  }
0x15: {  	[spmem:s12], [sflag:s11] =	dma.local [hbm:s6], $0x2800  }
0x16: {  	_ =	swait.ge [sflag:s10], $0x2800  }
0x17: {  	[sflag:s10] =	ssyncset.done $0x0  }
0x18: {  	[sflag:s10] =	ssyncadd.s32 $0xFFFFD800  }
0x19: {  	[bflag:$0x0] =	sbarrier.arrive $0xFFFF  }
0x1a: {  	[tilespmem:s14], [sflag:$0x1] =	stream.indirect.gather [hbm4b:s4+s13], $0x80, s9, s13, $0xb8;
	[tilespmem:$0x1E900] =	vst v63  }
0x1b: {  	_ = 	snop  }
0x1c: {  	[tilespmem:s15], [sflag:$0x3] =	stream.linear.gather [hbm4b:s7+s3], $0x80, $0x38;
	[tilespmem:$0x1E900] =	vst v63  }
0x1d: {  	_ = 	snop  }
0x1e: {  	[tilespmem:s17], [sflag:$0x4] =	stream.linear.gather [hbm4b:s16+s3], $0x80, $0x38;
	[tilespmem:$0x1E900] =	vst v63  }
0x1f: {  	s28 =	simm.s32 $0x14080  }
0x20: {  	[tilespmem:s19], [sflag:$0x2] =	stream.indirect.gather [hbm4b:s4+s13], $0x80, s28, s13, $0xb8;
	[tilespmem:$0x1E900] =	vst v63  }
0x21: {  	_ =	swait.ge [sflag:s20], $0x4000  }
0x22: {  	[sflag:s20] =	ssyncset.done $0x0  }
0x23: {  	[sflag:s20] =	ssyncadd.s32 $0xFFFFC000  }
0x24: {  	_ =	swait.ge [sflag:s21], $0x80  }
0x25: {  	[sflag:s21] =	ssyncset.done $0x0  }
0x26: {  	[sflag:s21] =	ssyncadd.s32 $0xFFFFFF80  }
0x27: {  	[spmem:s2] =	stream.indirect.scatter.add.f32 [tilespmem:s14], [sflag:$0x5], $0x80, s15, s13, $0xb8;
	[tilespmem:$0x1E900] =	vst v63  }
0x28: {  	_ =	swait.ge [sflag:s10], $0x4000  }
0x29: {  	[sflag:s10] =	ssyncset.done $0x0  }
0x2a: {  	s28 =	simm.s32 $0x14100;
	[sflag:s10] =	ssyncadd.s32 $0xFFFFC000  }
0x2b: {  	[tilespmem:s14], [sflag:$0x1] =	stream.indirect.gather [hbm4b:s4+s13], $0x80, s28, s13, $0xb8;
	[tilespmem:$0x1E900] =	vst v63  }
0x2c: {  	s28 =	sadd.s32 $0xFFFFFFF0, s18  }
0x2d: {  	[tilespmem:s15], [sflag:$0x3] =	stream.linear.gather [hbm4b:s28+s3], $0x80, $0x38;
	[tilespmem:$0x1E900] =	vst v63  }
0x2e: {  	_ =	swait.ge [sflag:s22], $0x4000  }
0x2f: {  	[sflag:s22] =	ssyncset.done $0x0  }
0x30: {  	[sflag:s22] =	ssyncadd.s32 $0xFFFFC000  }
0x31: {  	_ =	swait.ge [sflag:s23], $0x80  }
0x32: {  	[sflag:s23] =	ssyncset.done $0x0  }
0x33: {  	[sflag:s23] =	ssyncadd.s32 $0xFFFFFF80  }
0x34: {  	[spmem:s2] =	stream.indirect.scatter.add.f32 [tilespmem:s19], [sflag:$0x5], $0x80, s17, s13, $0xb8;
	[tilespmem:$0x1E900] =	vst v63  }
0x35: {  	_ =	swait.ge [sflag:s10], $0x4000  }
0x36: {  	s29 =	simm.s32 $0xFFFFDA00;
	s31 =	simm.s32 $0xFFFF6C00;
	[sflag:s10] =	ssyncset.done $0x0  }
0x37: {  	s30 =	smov.u32 s18;
	s28 =	sadd.s32 $0x20, s18;
	[sflag:s10] =	ssyncadd.s32 $0xFFFFC000  }
.LBB2_2:
0x38: {  	[tilespmem:s17], [sflag:$0x4] =	stream.linear.gather [hbm4b:s30+s3], $0x80, $0x38;
	[tilespmem:$0x1E900] =	vst v63  }
0x39: {  	s1 =	smov.u32 s31;
	s30 =	smov.u32 s28  }
0x3a: {  	s0 =	sadd.s32 $0x400, s31;
	s25 =	sadd.s32 $0x16780, s29;
	s1 =	sshra.s32 s1, $0x2  }
0x3b: {  	[tilespmem:s19], [sflag:$0x2] =	stream.indirect.gather [hbm4b:s4+s13], $0x80, s25, s13, $0xb8;
	[tilespmem:$0x1E900] =	vst v63  }
0x3c: {  	p0 =	sne.s32 s31, $0xFFFFFC00;
	_ =	swait.ge [sflag:s20], $0x4000  }
0x3d: {  	[sflag:s20] =	ssyncset.done $0x0  }
0x3e: {  	[sflag:s20] =	ssyncadd.s32 $0xFFFFC000  }
0x3f: {  	_ =	swait.ge [sflag:s21], $0x80  }
0x40: {  	[sflag:s21] =	ssyncset.done $0x0  }
0x41: {  	[sflag:s21] =	ssyncadd.s32 $0xFFFFFF80  }
0x42: {  	[spmem:s2] =	stream.indirect.scatter.add.f32 [tilespmem:s14], [sflag:$0x5], $0x80, s15, s13, $0xb8;
	[tilespmem:$0x1E900] =	vst v63  }
0x43: {  	_ =	swait.ge [sflag:s10], $0x4000  }
0x44: {  	[sflag:s10] =	ssyncset.done $0x0  }
0x45: {  	s25 =	sadd.s32 $0x16800, s29;
	s29 =	smov.u32 s1;
	[sflag:s10] =	ssyncadd.s32 $0xFFFFC000  }
0x46: {  	[tilespmem:s14], [sflag:$0x1] =	stream.indirect.gather [hbm4b:s4+s13], $0x80, s25, s13, $0xb8;
	[tilespmem:$0x1E900] =	vst v63  }
0x47: {  	s1 =	sadd.s32 $0xFFFFFFF0, s28  }
0x48: {  	[tilespmem:s15], [sflag:$0x3] =	stream.linear.gather [hbm4b:s1+s3], $0x80, $0x38;
	[tilespmem:$0x1E900] =	vst v63  }
0x49: {  	_ =	swait.ge [sflag:s22], $0x4000  }
0x4a: {  	[sflag:s22] =	ssyncset.done $0x0  }
0x4b: {  	[sflag:s22] =	ssyncadd.s32 $0xFFFFC000  }
0x4c: {  	_ =	swait.ge [sflag:s23], $0x80  }
0x4d: {  	[sflag:s23] =	ssyncset.done $0x0  }
.Ltmp0:
0x4e: {  	[sflag:s23] =	ssyncadd.s32 $0xFFFFFF80;
	(pc) =	sbr.rel @p0 .LBB2_2-.Ltmp0, $4  }
0x4f: {  	[spmem:s2] =	stream.indirect.scatter.add.f32 [tilespmem:s19], [sflag:$0x5], $0x80, s17, s13, $0xb8;
	[tilespmem:$0x1E900] =	vst v63  }
0x50: {  	_ =	swait.ge [sflag:s10], $0x4000  }
0x51: {  	[sflag:s10] =	ssyncset.done $0x0  }
0x52: {  	s31 =	smov.u32 s0;
	s28 =	sadd.s32 $0x20, s28;
	[sflag:s10] =	ssyncadd.s32 $0xFFFFC000  }
0x53: {  	[tilespmem:s17], [sflag:$0x4] =	stream.linear.gather [hbm4b:s30+s3], $0x80, $0x38;
	[tilespmem:$0x1E900] =	vst v63  }
0x54: {  	s0 =	sadd.s32 $0x16780, s29  }
0x55: {  	[tilespmem:s19], [sflag:$0x2] =	stream.indirect.gather [hbm4b:s4+s13], $0x80, s0, s13, $0xb8;
	[tilespmem:$0x1E900] =	vst v63  }
0x56: {  	_ =	swait.ge [sflag:s20], $0x4000  }
0x57: {  	[sflag:s20] =	ssyncset.done $0x0  }
0x58: {  	[sflag:s20] =	ssyncadd.s32 $0xFFFFC000  }
0x59: {  	_ =	swait.ge [sflag:s21], $0x80  }
0x5a: {  	[sflag:s21] =	ssyncset.done $0x0  }
0x5b: {  	[sflag:s21] =	ssyncadd.s32 $0xFFFFFF80  }
0x5c: {  	[spmem:s2] =	stream.indirect.scatter.add.f32 [tilespmem:s14], [sflag:$0x5], $0x80, s15, s13, $0xb8;
	[tilespmem:$0x1E900] =	vst v63  }
0x5d: {  	_ =	swait.ge [sflag:s10], $0x4000  }
0x5e: {  	[sflag:s10] =	ssyncset.done $0x0  }
0x5f: {  	s29 =	sadd.s32 $0x16800, s29;
	[sflag:s10] =	ssyncadd.s32 $0xFFFFC000  }
0x60: {  	[tilespmem:s14], [sflag:$0x1] =	stream.indirect.gather [hbm4b:s4+s13], $0x80, s29, s13, $0xb8;
	[tilespmem:$0x1E900] =	vst v63  }
0x61: {  	s30 =	sadd.s32 $0xFFFFFFF0, s28  }
0x62: {  	[tilespmem:s15], [sflag:$0x3] =	stream.linear.gather [hbm4b:s30+s3], $0x80, $0x38;
	[tilespmem:$0x1E900] =	vst v63  }
0x63: {  	_ =	swait.ge [sflag:s22], $0x4000  }
0x64: {  	[sflag:s22] =	ssyncset.done $0x0  }
0x65: {  	[sflag:s22] =	ssyncadd.s32 $0xFFFFC000  }
0x66: {  	_ =	swait.ge [sflag:s23], $0x80  }
0x67: {  	[sflag:s23] =	ssyncset.done $0x0  }
0x68: {  	[sflag:s23] =	ssyncadd.s32 $0xFFFFFF80  }
0x69: {  	[spmem:s2] =	stream.indirect.scatter.add.f32 [tilespmem:s19], [sflag:$0x5], $0x80, s17, s13, $0xb8;
	[tilespmem:$0x1E900] =	vst v63  }
0x6a: {  	_ =	swait.ge [sflag:s10], $0x4000  }
0x6b: {  	[sflag:s10] =	ssyncset.done $0x0  }
0x6c: {  	[sflag:s10] =	ssyncadd.s32 $0xFFFFC000  }
0x6d: {  	[tilespmem:s17], [sflag:$0x4] =	stream.linear.gather [hbm4b:s28+s3], $0x80, $0x38;
	[tilespmem:$0x1E900] =	vst v63  }
0x6e: {  	s31 =	simm.s32 $0x16780  }
0x6f: {  	[tilespmem:s19], [sflag:$0x2] =	stream.indirect.gather [hbm4b:s4+s13], $0x80, s31, s13, $0xb8;
	[tilespmem:$0x1E900] =	vst v63  }
0x70: {  	_ =	swait.ge [sflag:s20], $0x4000  }
0x71: {  	[sflag:s20] =	ssyncset.done $0x0  }
0x72: {  	[sflag:s20] =	ssyncadd.s32 $0xFFFFC000  }
0x73: {  	_ =	swait.ge [sflag:s21], $0x80  }
0x74: {  	[sflag:s21] =	ssyncset.done $0x0  }
0x75: {  	[sflag:s21] =	ssyncadd.s32 $0xFFFFFF80  }
0x76: {  	[spmem:s2] =	stream.indirect.scatter.add.f32 [tilespmem:s14], [sflag:$0x5], $0x80, s15, s13, $0xb8;
	[tilespmem:$0x1E900] =	vst v63  }
0x77: {  	_ =	swait.ge [sflag:s10], $0x4000  }
0x78: {  	[sflag:s10] =	ssyncset.done $0x0  }
0x79: {  	[sflag:s10] =	ssyncadd.s32 $0xFFFFC000  }
0x7a: {  	_ =	swait.ge [sflag:s22], $0x4000  }
0x7b: {  	[sflag:s22] =	ssyncset.done $0x0  }
0x7c: {  	[sflag:s22] =	ssyncadd.s32 $0xFFFFC000  }
0x7d: {  	_ =	swait.ge [sflag:s23], $0x80  }
0x7e: {  	[sflag:s23] =	ssyncset.done $0x0  }
0x7f: {  	[sflag:s23] =	ssyncadd.s32 $0xFFFFFF80  }
0x80: {  	[spmem:s2] =	stream.indirect.scatter.add.f32 [tilespmem:s19], [sflag:$0x5], $0x80, s17, s13, $0xb8;
	[tilespmem:$0x1E900] =	vst v63  }
0x81: {  	_ =	swait.ge [sflag:s10], $0x4000  }
0x82: {  	s26 =	sadd.s32 $0x1, s26;
	[sflag:s10] =	ssyncset.done $0x0  }
0x83: {  	p0 =	sne.s32 s26, s8;
	[sflag:s10] =	ssyncadd.s32 $0xFFFFC000  }
.Ltmp1:
0x84: {  	[bflag:$0x0] =	sbarrier.arrive $0xFFFF;
	(pc) =	sbr.rel @p0 .LBB2_1-.Ltmp1, $4  }
0x85: {  	[hbm:s24], [sflag:s11] =	dma.local [spmem:s12], $0x2800  }
0x86: {  	_ =	swait.ge [sflag:s10], $0x2800  }
0x87: {  	[sflag:s10] =	ssyncset.done $0x0  }
0x88: {  	[sflag:s10] =	ssyncadd.s32 $0xFFFFD800  }
0x89: {  	_ =	sfence.sel $0x180000  }
0x8a: {  	[bflag:$0x0] =	sbarrier.arrive $0xFFFF  }
0x8b: {  	_ =	strace $0x9000004D  }
0x8c: {  	s0 =	stileid.u32;
	[bflag:$0x2] =	sbarrier.arrive $0xFFFF  }
0x8d: {  	p0 =	sne.s32 s0, $0x0;
	s0 =	rddreg [dreg:$0x2]  }
0x8e: {  	s0 =	sadd.s32 @!p0 $0x100000, s0  }
0x8f: {  	[sflag:s0] =	ssyncadd.tile.s32 @!p0 $0x1;
	_ =	shalt  }
.Lfunc_end2:
_tile_overlayer_lowered:
.L_overlay_start_2:
0x90: {  	(tag) =	ssettag $0x2  }
0x91: {  	s0 =	rddreg [dreg:$0x0];
	s2 =	stileid.u32  }
0x92: {  	s1 =	rddreg [dreg:$0x1];
	p0 =	sne.s32 s2, $0x0  }
0x93: {  	s3 =	rddreg [dreg:$0x2];
	[bflag:$0x3] =	sbarrier.arrive $0xFFFF;
	s2 =	simm.s32 @!p0 $0x1C05  }
0x94: {  	[timem:s3], [sflag:s2] =	dma.local @!p0 [hbm:s0], s1  }
0x95: {  	s0 =	simm.s32 @!p0 $0x5  }
0x96: {  	_ =	swait.ge @!p0 [sflag:s0], s1  }
0x97: {  	s1 =	ssub.s32 @!p0 $0x0, s1;
	[sflag:s0] =	ssyncset.done @!p0 $0x0  }
0x98: {  	[sflag:s0] =	ssyncadd.s32 @!p0 s1  }
0x99: {  	[bflag:$0x3] =	sbarrier.arrive $0xFFFF  }
0x9a: {  	_ =	shalt  }

// kernel: kernel.8.cloned.1.call-start
scs
__scs_entry_jumppad:
0x0: {  	(pc) =	sbr.rel $0x88, $3  }
0x1: {  	(tag) =	ssettag $0x0;
	lr =	simm.s32 $0x1  }
0x2: {  	[smem:$0x3F9B] =	sst lr;
	_ =	strace $0xD0000000  }
0x3: {  	_ = 	snop  }
0x4: {  	_ = 	snop  }
0x5: {  	_ = 	snop  }
0x6: {  	_ = 	snop  }
0x7: {  	_ = 	snop  }
__scs_overlays_trampoline_lowered:
0x8: {  	[smem:$0x3FAA] =	sst s0  }
0x9: {  	[smem:$0x3FAB] =	sst s1  }
0xa: {  	[smem:$0x3FAC] =	sst s2  }
0xb: {  	[smem:$0x3FAD] =	sst s3  }
0xc: {  	[smem:$0x3FAE] =	sst s4  }
0xd: {  	[smem:$0x3FAF] =	sst s5  }
0xe: {  	[smem:$0x3FB0] =	sst s6  }
0xf: {  	[smem:$0x3FB1] =	sst s7  }
0x10: {  	[smem:$0x3FB2] =	sst s8  }
0x11: {  	[smem:$0x3FB3] =	sst s9;
	s0 =	simm.s32 @!p0 $0x0  }
0x12: {  	s1 =	sld [smem:$0x3F99];
	s0 =	simm.s32 @p0 $0x1  }
0x13: {  	[smem:$0x3FB4] =	sst s0;
	s0 =	simm.s32 @!p1 $0x0  }
0x14: {  	s2 =	sld [smem:$0x3F98];
	s0 =	simm.s32 @p1 $0x1  }
0x15: {  	[smem:$0x3FB5] =	sst s0;
	s0 =	simm.s32 @!p2 $0x0  }
0x16: {  	s3 =	sld [smem:$0x3FDB];
	s0 =	simm.s32 @p2 $0x1  }
0x17: {  	s4 =	simm.s32 $0x1BF5;
	[smem:$0x3FB7] =	sst s0  }
0x18: {  	s0 =	sld [smem:$0x3F9A];
	_ =	swait.ge [sflag:s4], $0x0  }
0x19: {  	s7 =	sld [smem:$0x3F9B]  }
0x1a: {  	s8 =	sadd.s32 $0xFFFFE003, lr  }
0x1b: {  	s9 =	sadd.s32 $0xFFFFFEF7, lr;
	s5 =	simm.s32 $0xFFFFFFFF;
	p2 =	slt.u32 s8, $0xFFFFF086  }
0x1c: {  	p1 =	slt.u32 s9, $0xF7A;
	s5 =	simm.s32 @!p2 $0x0  }
0x1d: {  	s5 =	simm.s32 @p1 $0x1;
	p0 =	seq.s32 s7, s2  }
0x1e: {  	s7 =	smul.u32 @!p0 $0xF7A, s2;
	p2 =	seq.s32 @!p0 s5, $0x0  }
0x1f: {  	s9 =	smul.u32 $0xF7A, s1;
	s8 =	simm.s32 @!p0 $0x1BF5;
	p2 =	por !p2, p0  }
0x20: {  	[sflag:s8] =	ssyncset.s32 @!p0 $0xFFFFF086;
	s6 =	sadd.s32 @!p0 s3, s7;
	s7 =	simm.s32 @!p0 $0x108  }
0x21: {  	s3 =	sadd.s32 s3, s9;
	s6 =	sadd.s32 @!p0 $0x88, s6;
	s7 =	simm.s32 @p2 $0x1082  }
0x22: {  	[simem:s7], [sflag:s8] =	dma.local @!p0 [hbm:s6], $0xF7A  }
0x23: {  	s9 =	sor.u32 $0xD0000000, s2;
	s6 =	simm.s32 $0x108;
	_ =	swait.ge @!p0 [sflag:s8], $0x0  }
0x24: {  	s3 =	sadd.s32 $0x88, s3;
	s6 =	simm.s32 @!p1 $0x1082;
	[sflag:s4] =	ssyncset.s32 $0xFFFFF086  }
0x25: {  	[simem:s6], [sflag:s4] =	dma.local [hbm:s3], $0xF7A  }
0x26: {  	[smem:$0x3F9B] =	sst s1;
	(tag) =	ssettag s2;
	_ =	strace s9  }
0x27: {  	s1 =	sld [smem:$0x3FAB]  }
0x28: {  	s2 =	sld [smem:$0x3FAC]  }
0x29: {  	s4 =	sld [smem:$0x3FAE]  }
0x2a: {  	p0 =	seq.s32 s5, $0x0;
	s5 =	sld [smem:$0x3FAF]  }
0x2b: {  	s6 =	sld [smem:$0x3FB0]  }
0x2c: {  	s7 =	sld [smem:$0x3FB1]  }
0x2d: {  	s3 =	simm.s32 $0x108;
	s8 =	sld [smem:$0x3FB2]  }
0x2e: {  	s3 =	simm.s32 @!p0 $0x1082;
	s9 =	sld [smem:$0x3FB3]  }
0x2f: {  	lr =	sadd.s32 s0, s3;
	s0 =	sld [smem:$0x3FAA]  }
0x30: {  	s3 =	sld [smem:$0x3FAD]  }
0x31: {  	[smem:$0x3FB6] =	sst s10  }
0x32: {  	s10 =	sld [smem:$0x3FB4];
	_ =	sdelay $0x3  }
0x33: {  	p0 =	seq.s32 s10, $0x1;
	s10 =	sld [smem:$0x3FB6];
	_ =	sdelay $0x3  }
0x34: {  	[smem:$0x3FB6] =	sst s10  }
0x35: {  	s10 =	sld [smem:$0x3FB5];
	_ =	sdelay $0x3  }
0x36: {  	p1 =	seq.s32 s10, $0x1;
	s10 =	sld [smem:$0x3FB6];
	_ =	sdelay $0x3  }
0x37: {  	[smem:$0x3FB6] =	sst s10  }
0x38: {  	s10 =	sld [smem:$0x3FB7]  }
0x39: {  	_ = 	snop;
	(pc) =	sbr.ind lr, $3  }
0x3a: {  	_ = 	snop  }
0x3b: {  	_ = 	snop  }
0x3c: {  	p2 =	seq.s32 s10, $0x1;
	s10 =	sld [smem:$0x3FB6]  }
0x3d: {  	_ =	shalt  }
0x3e: {  	_ =	shalt  }
0x3f: {  	_ =	shalt  }
0x40: {  	_ =	shalt  }
0x41: {  	_ =	shalt  }
0x42: {  	_ =	shalt  }
0x43: {  	_ =	shalt  }
0x44: {  	_ =	shalt  }
0x45: {  	_ =	shalt  }
0x46: {  	_ =	shalt  }
0x47: {  	_ =	shalt  }
0x48: {  	_ =	shalt  }
0x49: {  	_ =	shalt  }
0x4a: {  	_ =	shalt  }
0x4b: {  	_ =	shalt  }
0x4c: {  	_ =	shalt  }
0x4d: {  	_ =	shalt  }
0x4e: {  	_ =	shalt  }
0x4f: {  	_ =	shalt  }
0x50: {  	_ =	shalt  }
0x51: {  	_ =	shalt  }
0x52: {  	_ =	shalt  }
0x53: {  	_ =	shalt  }
0x54: {  	_ =	shalt  }
0x55: {  	_ =	shalt  }
0x56: {  	_ =	shalt  }
0x57: {  	_ =	shalt  }
0x58: {  	_ =	shalt  }
0x59: {  	_ =	shalt  }
0x5a: {  	_ =	shalt  }
0x5b: {  	_ =	shalt  }
0x5c: {  	_ =	shalt  }
0x5d: {  	_ =	shalt  }
0x5e: {  	_ =	shalt  }
0x5f: {  	_ =	shalt  }
0x60: {  	_ =	shalt  }
0x61: {  	_ =	shalt  }
0x62: {  	_ =	shalt  }
0x63: {  	_ =	shalt  }
0x64: {  	_ =	shalt  }
0x65: {  	_ =	shalt  }
0x66: {  	_ =	shalt  }
0x67: {  	_ =	shalt  }
0x68: {  	_ =	shalt  }
0x69: {  	_ =	shalt  }
0x6a: {  	_ =	shalt  }
0x6b: {  	_ =	shalt  }
0x6c: {  	_ =	shalt  }
0x6d: {  	_ =	shalt  }
0x6e: {  	_ =	shalt  }
0x6f: {  	_ =	shalt  }
0x70: {  	_ =	shalt  }
0x71: {  	_ =	shalt  }
0x72: {  	_ =	shalt  }
0x73: {  	_ =	shalt  }
0x74: {  	_ =	shalt  }
0x75: {  	_ =	shalt  }
0x76: {  	_ =	shalt  }
0x77: {  	_ =	shalt  }
0x78: {  	_ =	shalt  }
0x79: {  	_ =	shalt  }
0x7a: {  	_ =	shalt  }
0x7b: {  	_ =	shalt  }
0x7c: {  	_ =	shalt  }
0x7d: {  	_ =	shalt  }
0x7e: {  	_ =	shalt  }
0x7f: {  	_ =	shalt  }
0x80: {  	_ =	shalt  }
0x81: {  	_ =	shalt  }
0x82: {  	_ =	shalt  }
0x83: {  	_ =	shalt  }
0x84: {  	_ =	shalt  }
0x85: {  	_ =	shalt  }
0x86: {  	_ =	shalt  }
0x87: {  	_ =	shalt  }
.Lfunc_end0:
.L_simem_size_0:
called_computation_lowered:
.L_overlay_start_0:
0x88: {  	s2 =	sld [smem:$0x3FD9]  }
0x89: {  	s3 =	sld [smem:$0x3FFE];
	_ =	sdelay $0x1  }
0x8a: {  	s1 =	srdreg.scid  }
0x8b: {  	s0 =	sand.u32 $0x1, s1  }
0x8c: {  	s17 =	sshll.u32 s0, $0xA;
	s2 =	sadd.s32 s3, s2  }
0x8d: {  	s2 =	sadd.s32 s2, s17  }
0x8e: {  	[smem:$0x3FC2] =	sst s2  }
0x8f: {  	_ = 	snop  }
0x90: {  	s2 =	sld [smem:$0x3FD0];
	(tm) =	ssettm $0x1  }
0x91: {  	s18 =	sld [smem:$0x3FFB];
	_ =	sdelay $0x3  }
0x92: {  	_ =	strace s18  }
0x93: {  	s3 =	sld [smem:$0x3FFC];
	_ =	sdelay $0x3  }
0x94: {  	_ =	strace s3  }
0x95: {  	s3 =	sld [smem:$0x3FFD];
	_ =	sdelay $0x3  }
0x96: {  	_ =	strace s3  }
0x97: {  	_ =	strace $0x8FFFFFFF  }
0x98: {  	s19 =	sld [smem:$0x3FDB];
	_ =	sdelay $0x1  }
0x99: {  	s4 =	simm.s32 $_scs_section_size  }
0x9a: {  	s5 =	simm.s32 $_size__tile_overlayer_lowered;
	s6 =	simm.s32 $_tile_overlayer_lowered  }
0x9b: {  	s22 =	simm.s32 $0x1BFF;
	s21 =	sshll.u32 s6, $0x1;
	s3 =	sadd.s32 s4, s19  }
0x9c: {  	s7 =	simm.s32 $0x0;
	s20 =	sshll.u32 s5, $0x1;
	s5 =	sadd.s32 s21, s3  }
0x9d: {  	[timem:s7], [sflag:s22] =	dma.local [hbm:s5], s20  }
0x9e: {  	_ =	swait.ge [sflag:s22], s20  }
0x9f: {  	s4 =	ssub.s32 $0x0, s20;
	[sflag:s22] =	ssyncset.done $0x0  }
0xa0: {  	[sflag:s22] =	ssyncadd.s32 s4;
	_ =	sdelay $0x1  }
0xa1: {  	s23 =	simm.s32 $0x1B8B  }
0xa2: {  	_ =	swait.ge [sflag:s23], $0x1  }
0xa3: {  	[sflag:s23] =	ssyncset.done $0x0  }
0xa4: {  	s25 =	simm.s32 $0x1B8E;
	s24 =	sld [smem:$0x3FFE];
	[sflag:s23] =	ssyncadd.s32 $0xFFFFFFFF  }
0xa5: {  	s26 =	simm.s32 $execute0_lowered;
	[smem:$0x3FD2] =	sst s25  }
0xa6: {  	s5 =	sshll.u32 s26, $0x1;
	_ =	strace $0x80000046;
	[dreg:$0x1] =	wrdreg $0xFFFFFFFF  }
0xa7: {  	s28 =	simm.s32 $_size_execute0_lowered;
	s3 =	sadd.s32 s3, s5;
	[dreg:$0x0] =	wrdreg $0x0  }
0xa8: {  	s5 =	sshll.u32 s28, $0x1;
	[dreg:$0x2] =	wrdreg s3  }
0xa9: {  	[dreg:$0x3] =	wrdreg s5  }
0xaa: {  	[dreg:$0x4] =	wrdreg $0xC0  }
0xab: {  	_ =	task [dreg:s7], $0x5FFFF  }
0xac: {  	[dreg:$0x1] =	wrdreg $0xFFFFFFFF  }
0xad: {  	[dreg:$0x0] =	wrdreg $0x60  }
0xae: {  	[dreg:$0x2] =	wrdreg s24  }
0xaf: {  	[dreg:$0x3] =	wrdreg s2  }
0xb0: {  	[dreg:$0x4] =	wrdreg $0x0  }
0xb1: {  	[dreg:$0x5] =	wrdreg $0x9  }
0xb2: {  	_ =	task.clear_ibuf [dreg:s7], $0x6FFFF;
	_ =	strace $0x90000046  }
0xb3: {  	s29 =	simm.s32 $0x9;
	_ =	strace $0x80000048  }
0xb4: {  	_ =	swait.ge [sflag:s29], $0x1  }
0xb5: {  	[sflag:s29] =	ssyncadd.s32 $0xFFFFFFFF  }
0xb6: {  	_ =	strace $0x90000048  }
0xb7: {  	_ =	sfence  }
0xb8: {  	s30 =	sld [smem:$0x0];
	_ =	sdelay $0x2  }
0xb9: {  	s31 =	sshll.u32 s1, $0xD;
	s1 =	sshrl.u32 s1, $0x2  }
0xba: {  	s3 =	sand.u32 $0x4000, s31;
	s1 =	sadd.s32 s1, s30  }
0xbb: {  	s0 =	sor.u32 s3, s0;
	s1 =	sshll.u32 s1, $0x11  }
0xbc: {  	s0 =	sor.u32 s1, s0  }
0xbd: {  	s0 =	sadd.s32 $0x8F2B, s0  }
0xbe: {  	[sflag:s0] =	ssyncadd.remote.s32 $0x1  }
0xbf: {  	_ =	sfence.sel $0xFFFF  }
0xc0: {  	[dreg:$0x0] =	wrdreg $0xFFFFFFFF;
	(pc) =	sbr.abs _section_cstart, $3  }
0xc1: {  	[dreg:$0x1] =	wrdreg $0xFFFFFFFF  }
0xc2: {  	_ =	task.clear_ibuf [dreg:s7], $0x2FFFF;
	_ =	strace $0x9FFFFFFF  }
0xc3: {  	(tm) =	ssettm $0x7FFFFFFF  }
tec
execute0_lowered:
.L_overlay_start_1:
0x0: {  	(tag) =	ssettag $0x1  }
0x1: {  	s4 =	rddreg [dreg:$0x0]  }
0x2: {  	s6 =	rddreg [dreg:$0x1]  }
0x3: {  	s2 =	rddreg [dreg:$0x2]  }
0x4: {  	s0 =	srdreg.scid;
	s1 =	rddreg [dreg:$0x3];
	s3 =	simm.s32 $0x0  }
0x5: {  	s11 =	simm.s32 $0x300;
	s15 =	simm.s32 $0x20;
	s16 =	simm.s32 $0x10  }
0x6: {  	s17 =	simm.s32 $0x0;
	s5 =	sand.u32 $0x1, s0;
	s0 =	stileid.u32  }
0x7: {  	[smem:$0x7FF] =	sst s3;
	s7 =	sshll.u32 s5, $0x4;
	s9 =	smul.u32 $0xA00, s0  }
0x8: {  	_ =	strace $0x80000047;
	s5 =	ssub.s32 $0x2, s5;
	s13 =	smul.u32 $0xA0, s0  }
0x9: {  	s14 =	sshll.u32 s0, $0x6;
	s8 =	sor.u32 s0, s7;
	s31 =	sshrl.u32 s5, $0x1  }
0xa: {  	s12 =	sadd.s32 s6, s7;
	s7 =	simm.s32 $0x380;
	s8 =	smul.u32 $0x500, s8  }
0xb: {  	s9 =	sshrl.u32 s9, $0x2;
	s10 =	ssub.s32 s5, s31;
	s12 =	sadd.s32 s13, s12  }
0xc: {  	s13 =	sor.u32 $0x1C01, s14;
	s6 =	smax.u32 s10, $0x1;
	s10 =	simm.s32 $0x80  }
0xd: {  	s8 =	sadd.s32 s8, s4;
	s4 =	sadd.s32 s9, s2;
	s9 =	simm.s32 $0x280  }
0xe: {  	v0 =	vimm.f32 $0.0e+00;
	v1 =	vimm.f32 $1.000000000e+00;
	s5 =	sadd.s32 $0x1E00, s8;
	s8 =	simm.s32 $0x1;
	s14 =	sshrl.u32 s4, $0x3  }
.LBB2_1:
0xf: {  	[tilespmem:$0x380] =	vst v0  }
0x10: {  	[tilespmem:$0x390] =	vst v0  }
0x11: {  	[tilespmem:$0x3A0] =	vst v0  }
0x12: {  	[tilespmem:$0x3B0] =	vst v0  }
0x13: {  	[tilespmem:$0x3C0] =	vst v0  }
0x14: {  	[tilespmem:$0x3D0] =	vst v0  }
0x15: {  	[tilespmem:$0x3E0] =	vst v0  }
0x16: {  	[tilespmem:$0x3F0] =	vst v0  }
0x17: {  	[tilespmem:$0x400] =	vst v0  }
0x18: {  	[tilespmem:$0x410] =	vst v0  }
0x19: {  	[tilespmem:$0x420] =	vst v0  }
0x1a: {  	[tilespmem:$0x430] =	vst v0  }
0x1b: {  	[tilespmem:$0x440] =	vst v0  }
0x1c: {  	[tilespmem:$0x450] =	vst v0  }
0x1d: {  	[tilespmem:$0x460] =	vst v0  }
0x1e: {  	[tilespmem:$0x470] =	vst v0  }
0x1f: {  	[tilespmem:$0x480] =	vst v0  }
0x20: {  	[tilespmem:$0x490] =	vst v0  }
0x21: {  	[tilespmem:$0x4A0] =	vst v0  }
0x22: {  	[tilespmem:$0x4B0] =	vst v0  }
0x23: {  	[tilespmem:$0x4C0] =	vst v0  }
0x24: {  	[tilespmem:$0x4D0] =	vst v0  }
0x25: {  	[tilespmem:$0x4E0] =	vst v0  }
0x26: {  	[tilespmem:$0x4F0] =	vst v0  }
0x27: {  	[tilespmem:$0x500] =	vst v0  }
0x28: {  	[tilespmem:$0x510] =	vst v0  }
0x29: {  	[tilespmem:$0x520] =	vst v0  }
0x2a: {  	[tilespmem:$0x530] =	vst v0  }
0x2b: {  	[tilespmem:$0x540] =	vst v0  }
0x2c: {  	[tilespmem:$0x550] =	vst v0  }
0x2d: {  	[tilespmem:$0x560] =	vst v0  }
0x2e: {  	[tilespmem:$0x570] =	vst v0  }
0x2f: {  	[tilespmem:$0x580] =	vst v0  }
0x30: {  	[tilespmem:$0x590] =	vst v0  }
0x31: {  	[tilespmem:$0x5A0] =	vst v0  }
0x32: {  	[tilespmem:$0x5B0] =	vst v0  }
0x33: {  	[tilespmem:$0x5C0] =	vst v0  }
0x34: {  	[tilespmem:$0x5D0] =	vst v0  }
0x35: {  	[tilespmem:$0x5E0] =	vst v0  }
0x36: {  	[tilespmem:$0x5F0] =	vst v0  }
0x37: {  	[tilespmem:$0x300] =	vst v1  }
0x38: {  	[tilespmem:$0x310] =	vst v1  }
0x39: {  	[tilespmem:$0x320] =	vst v1  }
0x3a: {  	[tilespmem:$0x330] =	vst v1  }
0x3b: {  	[tilespmem:$0x340] =	vst v1  }
0x3c: {  	[tilespmem:$0x350] =	vst v1  }
0x3d: {  	[tilespmem:$0x360] =	vst v1  }
0x3e: {  	[tilespmem:$0x370] =	vst v1  }
0x3f: {  	[spmem:s4] =	stream.linear.scatter [tilespmem:s7], [sflag:$0x1], $0x280, $0x38;
	[tilespmem:$0x600] =	vst v63  }
0x40: {  	_ =	swait.ge [sflag:s8], $0x280  }
0x41: {  	[sflag:s8] =	ssyncset.done $0x0  }
0x42: {  	[sflag:s8] =	ssyncadd.s32 $0xFFFFFD80  }
0x43: {  	s18 =	sadd.s32 $0x0, s5;
	[bflag:$0x0] =	sbarrier.arrive $0xFFFF  }
0x44: {  	[tilespmem:s9], [sflag:$0x1] =	stream.linear.gather [hbm4b:s18+s3], $0x80, $0x38;
	[tilespmem:$0x600] =	vst v63  }
0x45: {  	_ =	swait.ge [sflag:s8], $0x80  }
0x46: {  	[sflag:s8] =	ssyncset.done $0x0  }
0x47: {  	[sflag:s8] =	ssyncadd.s32 $0xFFFFFF80  }
0x48: {  	[spmem:s2] =	stream.indirect.scatter.add.f32 [tilespmem:s11], [sflag:$0x1], $0x1, s9, s10, $0xb8;
	[tilespmem:$0x600] =	vst v63  }
0x49: {  	_ =	swait.ge [sflag:s8], $0x80  }
0x4a: {  	s19 =	simm.s32 $0x20;
	s18 =	simm.s32 $0x10;
	[sflag:s8] =	ssyncset.done $0x0  }
.LBB2_2:
0x4b: {  	s20 =	sadd.s32 s18, s5  }
0x4c: {  	[sflag:s8] =	ssyncadd.s32 $0xFFFFFF80;
	s18 =	smov.u32 s19;
	s21 =	sadd.s32 $0x10, s19  }
0x4d: {  	[tilespmem:s9], [sflag:$0x1] =	stream.linear.gather [hbm4b:s20+s3], $0x80, $0x38;
	[tilespmem:$0x600] =	vst v63  }
0x4e: {  	p0 =	sne.s32 s19, $0x4F0;
	_ =	swait.ge [sflag:s8], $0x80  }
.Ltmp0:
0x4f: {  	[sflag:s8] =	ssyncset.done $0x0;
	(pc) =	sbr.rel @p0 .LBB2_2-.Ltmp0, $4  }
0x50: {  	[sflag:s8] =	ssyncadd.s32 $0xFFFFFF80  }
0x51: {  	[spmem:s2] =	stream.indirect.scatter.add.f32 [tilespmem:s11], [sflag:$0x1], $0x1, s9, s10, $0xb8;
	[tilespmem:$0x600] =	vst v63  }
0x52: {  	_ =	swait.ge [sflag:s8], $0x80  }
0x53: {  	s19 =	smov.u32 s21;
	[sflag:s8] =	ssyncset.done $0x0  }
0x54: {  	s18 =	sadd.s32 s18, s5;
	[sflag:s8] =	ssyncadd.s32 $0xFFFFFF80  }
0x55: {  	[tilespmem:s9], [sflag:$0x1] =	stream.linear.gather [hbm4b:s18+s3], $0x80, $0x38;
	[tilespmem:$0x600] =	vst v63  }
0x56: {  	_ =	swait.ge [sflag:s8], $0x80  }
0x57: {  	[sflag:s8] =	ssyncset.done $0x0  }
0x58: {  	[sflag:s8] =	ssyncadd.s32 $0xFFFFFF80  }
0x59: {  	[spmem:s2] =	stream.indirect.scatter.add.f32 [tilespmem:s11], [sflag:$0x1], $0x1, s9, s10, $0xb8;
	[tilespmem:$0x600] =	vst v63  }
0x5a: {  	_ =	swait.ge [sflag:s8], $0x80  }
0x5b: {  	s17 =	sadd.s32 $0x1, s17;
	[sflag:s8] =	ssyncset.done $0x0  }
0x5c: {  	p0 =	sne.s32 s17, s6;
	[sflag:s8] =	ssyncadd.s32 $0xFFFFFF80  }
.Ltmp1:
0x5d: {  	[bflag:$0x0] =	sbarrier.arrive $0xFFFF;
	(pc) =	sbr.rel @p0 .LBB2_1-.Ltmp1, $4  }
0x5e: {  	[hbm:s12@s15], [sflag:s13] =	dma.strided [spmem:s14@s16], $0x50, s8, $0x10   }
0x5f: {  	_ =	swait.ge [sflag:s8], $0x50  }
0x60: {  	[sflag:s8] =	ssyncset.done $0x0  }
0x61: {  	[sflag:s8] =	ssyncadd.s32 $0xFFFFFFB0  }
0x62: {  	_ =	sfence.sel $0x180000  }
0x63: {  	[bflag:$0x0] =	sbarrier.arrive $0xFFFF  }
0x64: {  	p0 =	sne.s32 s0, $0x0;
	_ =	strace $0x90000047  }
0x65: {  	s0 =	sadd.s32 @!p0 $0x100000, s1;
	[bflag:$0x2] =	sbarrier.arrive $0xFFFF  }
0x66: {  	[sflag:s0] =	ssyncadd.tile.s32 @!p0 $0x1;
	_ =	shalt  }
.Lfunc_end2:
_tile_overlayer_lowered:
.L_overlay_start_2:
0x67: {  	(tag) =	ssettag $0x2  }
0x68: {  	s0 =	rddreg [dreg:$0x0];
	s2 =	stileid.u32  }
0x69: {  	s1 =	rddreg [dreg:$0x1];
	p0 =	sne.s32 s2, $0x0  }
0x6a: {  	s3 =	rddreg [dreg:$0x2];
	[bflag:$0x3] =	sbarrier.arrive $0xFFFF;
	s2 =	simm.s32 @!p0 $0x1C01  }
0x6b: {  	[timem:s3], [sflag:s2] =	dma.local @!p0 [hbm:s0], s1  }
0x6c: {  	s0 =	simm.s32 @!p0 $0x1  }
0x6d: {  	_ =	swait.ge @!p0 [sflag:s0], s1  }
0x6e: {  	s1 =	ssub.s32 @!p0 $0x0, s1;
	[sflag:s0] =	ssyncset.done @!p0 $0x0  }
0x6f: {  	[sflag:s0] =	ssyncadd.s32 @!p0 s1  }
0x70: {  	[bflag:$0x3] =	sbarrier.arrive $0xFFFF  }
0x71: {  	_ =	shalt  }

</sc_bundles>
